<compile_context>
chip_gen: v7x
topology: tpu7x:2x2x1
jax: 0.10.2.dev20260603
libtpu: 0.0.44.dev20260713+nightly
codegen_flags: <defaults>
</compile_context>

<pallas_src>
import functools

import jax
import jax.numpy as jnp
from jax import lax
from jax.experimental import pallas as pl
from jax.experimental.pallas import tpu as pltpu
from jax.experimental.pallas import tpu_sc as plsc

_NUM_CORES = 2
_NUM_SUBCORES = 16
_LANES = 16
_NUM_WORKERS = _NUM_CORES * _NUM_SUBCORES
_CHUNK = 128
_NBUF = 5


def _combine_body(pos_ref, type_ref, out_ref):
    out_ref[...] = pos_ref[...] + type_ref[0, :][None, :]


def _sc_embed(piece_table, ids_flat, comb, batch, seq, width):
    seq_per_w = seq // _NUM_WORKERS
    chunks = seq_per_w // _CHUNK
    n_items = batch * chunks
    mesh = plsc.VectorSubcoreMesh(core_axis_name="c", subcore_axis_name="s")

    @functools.partial(
        pl.kernel,
        out_type=jax.ShapeDtypeStruct((batch * seq, width), jnp.float32),
        mesh=mesh,
        scratch_types=[
            pltpu.VMEM((n_items, _CHUNK), jnp.int32),
            pltpu.VMEM((seq_per_w, width), jnp.float32),
        ]
        + [pltpu.VMEM((_CHUNK, width), jnp.float32) for _ in range(_NBUF)]
        + [pltpu.SemaphoreType.DMA for _ in range(2 * _NBUF + 2)],
    )
    def k(tbl_hbm, ids_hbm, comb_hbm, out_hbm, idx_v, comb_v, *rest):
        rows = rest[:_NBUF]
        g_sem = rest[_NBUF : 2 * _NBUF]
        s_sem = rest[2 * _NBUF : 3 * _NBUF]
        c_sem = rest[3 * _NBUF]
        i_sem = rest[3 * _NBUF + 1]
        wid = lax.axis_index("s") * _NUM_CORES + lax.axis_index("c")
        seq_base = wid * seq_per_w

        def flat_start(k_):
            b, c = divmod(k_, chunks)
            return b * seq + seq_base + c * _CHUNK

        idx_cps = [
            pltpu.async_copy(
                ids_hbm.at[pl.ds(flat_start(it), _CHUNK)],
                idx_v.at[it],
                i_sem,
            )
            for it in range(n_items)
        ]
        comb_cp = pltpu.async_copy(
            comb_hbm.at[pl.ds(seq_base, seq_per_w)], comb_v, c_sem
        )
        for cp in idx_cps:
            cp.wait()
        gathers = [
            pltpu.async_copy(tbl_hbm.at[idx_v.at[it]], rows[it], g_sem[it])
            for it in range(_NBUF - 1)
        ]
        comb_cp.wait()

        stores = [None] * _NBUF
        for it in range(n_items):
            buf = it % _NBUF
            gathers[it].wait()
            co = (it % chunks) * _CHUNK

            @pl.loop(0, _CHUNK)
            def _row_loop(r):
                for j in range(0, width, _LANES):
                    dst = (pl.ds(r, 1), pl.ds(j, _LANES))
                    src = (pl.ds(co + r, 1), pl.ds(j, _LANES))
                    rows[buf].at[*dst][...] = (
                        rows[buf].at[*dst][...] + comb_v.at[*src][...]
                    )

            stores[buf] = pltpu.async_copy(
                rows[buf], out_hbm.at[pl.ds(flat_start(it), _CHUNK)], s_sem[buf]
            )
            nxt = it + _NBUF - 1
            if nxt < n_items:
                jb = nxt % _NBUF
                if stores[jb] is not None:
                    stores[jb].wait()
                    stores[jb] = None
                gathers.append(
                    pltpu.async_copy(
                        tbl_hbm.at[idx_v.at[nxt]], rows[jb], g_sem[jb]
                    )
                )
        for buf in range(_NBUF):
            if stores[buf] is not None:
                stores[buf].wait()

    return k(piece_table, ids_flat, comb)


def kernel(piece_ids, piece_table, type_table, pos_table):
    batch, seq = piece_ids.shape
    width = piece_table.shape[1]
    comb = pl.pallas_call(
        _combine_body,
        out_shape=jax.ShapeDtypeStruct((seq, width), jnp.float32),
    )(pos_table[:seq], type_table)
    ids_flat = piece_ids.reshape(batch * seq)
    out = _sc_embed(piece_table, ids_flat, comb, batch, seq, width)
    return out.reshape(batch, seq, width)

# --- scband reference (transcript-rebuilt; emitter-appended) ---
"""Pipeline reference for scband-transformer-embeddings-16355235463262 (READ-ONLY COPY).

The authoritative reference and input builder live on the scoring server;
editing this copy changes nothing except your own understanding.
"""

import jax, jax.numpy as jnp
import numpy as np

N_PIECES = 100000
N_POSITIONS = 8192
N_TYPES = 2
EMBED_W = 128
BATCH = 4
SEQ = 8192


def setup_inputs(seed: int = 0) -> dict:
    key = jax.random.key(seed)
    k1, k2, k3, k4 = jax.random.split(key, 4)
    piece_ids = jax.random.randint(k1, (BATCH, SEQ), 0, N_PIECES, dtype=jnp.int32)
    piece_table = jax.random.normal(k2, (N_PIECES, EMBED_W), dtype=jnp.float32)
    type_table = jax.random.normal(k3, (N_TYPES, EMBED_W), dtype=jnp.float32)
    pos_table = jax.random.normal(k4, (N_POSITIONS, EMBED_W), dtype=jnp.float32)
    return {
        "piece_ids": piece_ids,
        "piece_table": piece_table,
        "type_table": type_table,
        "pos_table": pos_table,
    }


def reference(piece_ids, piece_table, type_table, pos_table):
    # piece embeddings: gather from table
    embeddings = jnp.take(piece_table, piece_ids, axis=0)
    # type embeddings: default type_ids = zeros_like(piece_ids)
    type_ids = jnp.zeros_like(piece_ids)
    embeddings = embeddings + jnp.take(type_table, type_ids, axis=0)
    # position embeddings: default positions = arange(seq_len) expanded to (1, seq_len)
    positions = jnp.arange(piece_ids.shape[1])[None, :]
    position_embeddings = jnp.take(pos_table, positions, axis=0)
    embeddings = embeddings + position_embeddings  # broadcasts over batch
    # embed_output_layer_norm / dropout are Identity; embedding_width == hidden_width
    # so no projection layer is applied.
    return embeddings

if __name__ == "__main__":
    import jax
    _d = setup_inputs()
    print(jax.jit(kernel)(*tuple(_d.values())))

</pallas_src>

<mosaic_0001>
#map = affine_map<(d0, d1) -> (0, 0)>
#map1 = affine_map<(d0, d1) -> (0)>
module attributes {stable_mosaic.version = 14 : i64} {
  func.func @k(%arg0: i32, %arg1: i32, %arg2: memref<100000x128xf32, #tpu.memory_space<hbm>>, %arg3: memref<32768xi32, #tpu.memory_space<hbm>>, %arg4: memref<8192x128xf32, #tpu.memory_space<hbm>>, %arg5: memref<32768x128xf32, #tpu.memory_space<hbm>>, %arg6: memref<8x128xi32, #tpu.memory_space<vmem>>, %arg7: memref<256x128xf32, #tpu.memory_space<vmem>>, %arg8: memref<128x128xf32, #tpu.memory_space<vmem>>, %arg9: memref<128x128xf32, #tpu.memory_space<vmem>>, %arg10: memref<128x128xf32, #tpu.memory_space<vmem>>, %arg11: memref<128x128xf32, #tpu.memory_space<vmem>>, %arg12: memref<128x128xf32, #tpu.memory_space<vmem>>, %arg13: memref<!tpu.dma_semaphore, #tpu.memory_space<semaphore_mem>>, %arg14: memref<!tpu.dma_semaphore, #tpu.memory_space<semaphore_mem>>, %arg15: memref<!tpu.dma_semaphore, #tpu.memory_space<semaphore_mem>>, %arg16: memref<!tpu.dma_semaphore, #tpu.memory_space<semaphore_mem>>, %arg17: memref<!tpu.dma_semaphore, #tpu.memory_space<semaphore_mem>>, %arg18: memref<!tpu.dma_semaphore, #tpu.memory_space<semaphore_mem>>, %arg19: memref<!tpu.dma_semaphore, #tpu.memory_space<semaphore_mem>>, %arg20: memref<!tpu.dma_semaphore, #tpu.memory_space<semaphore_mem>>, %arg21: memref<!tpu.dma_semaphore, #tpu.memory_space<semaphore_mem>>, %arg22: memref<!tpu.dma_semaphore, #tpu.memory_space<semaphore_mem>>, %arg23: memref<!tpu.dma_semaphore, #tpu.memory_space<semaphore_mem>>, %arg24: memref<!tpu.dma_semaphore, #tpu.memory_space<semaphore_mem>>) attributes {dimension_semantics = [#tpu.dimension_semantics<core_parallel>, #tpu.dimension_semantics<subcore_parallel>], iteration_bounds = array<i64: 2, 16>, scalar_prefetch = 0 : i64, scratch_operands = 19 : i64, tpu.core_type = #tpu.core_type<sc_vector_subcore>, window_params = [{transform_indices = #map}, {transform_indices = #map1}, {transform_indices = #map}, {transform_indices = #map}]} {
    %mul3A = arith.constant 2 : i32
    %mul3A_0 = arith.muli %arg1, %mul3A : i32
    %add3A = arith.addi %mul3A_0, %arg0 : i32
    %mul3A_1 = arith.constant 256 : i32
    %mul3A_2 = arith.muli %add3A, %mul3A_1 : i32
    %add3A_3 = arith.constant 0 : i32
    %add3A_4 = arith.addi %add3A_3, %mul3A_2 : i32
    %add3A_5 = arith.constant 0 : i32
    %add3A_6 = arith.addi %add3A_4, %add3A_5 : i32
    %dma_start3A = arith.constant 0 : i32
    %dma_start3A_7 = arith.constant 0 : i32
    %dma_start3A_8 = tpu.memref_slice %arg6[%dma_start3A, %dma_start3A_7] : memref<8x128xi32, #tpu.memory_space<vmem>> -> memref<1x128xi32, #tpu.memory_space<vmem>>
    %dma_start3A_9 = tpu.memref_squeeze %dma_start3A_8 : memref<1x128xi32, #tpu.memory_space<vmem>> -> memref<128xi32, #tpu.memory_space<vmem>>
    %dma_start3A_10 = tpu.memref_slice %arg3[%add3A_6] : memref<32768xi32, #tpu.memory_space<hbm>> -> memref<128xi32, #tpu.memory_space<hbm>>
    %dma_start3A_11 = arith.constant 0 : i32
    %dma_start3A_12 = tpu.memref_slice %arg6[%dma_start3A, %dma_start3A_11] : memref<8x128xi32, #tpu.memory_space<vmem>> -> memref<1x128xi32, #tpu.memory_space<vmem>>
    %dma_start3A_13 = tpu.memref_squeeze %dma_start3A_12 : memref<1x128xi32, #tpu.memory_space<vmem>> -> memref<128xi32, #tpu.memory_space<vmem>>
    %dma_start3A_14 = tpu.memref_slice %arg3[%add3A_6] : memref<32768xi32, #tpu.memory_space<hbm>> -> memref<128xi32, #tpu.memory_space<hbm>>
    tpu.enqueue_dma source(%dma_start3A_14 : memref<128xi32, #tpu.memory_space<hbm>>) target(%dma_start3A_13 : memref<128xi32, #tpu.memory_space<vmem>>) target_semaphore(%arg24 : memref<!tpu.dma_semaphore, #tpu.memory_space<semaphore_mem>>)
    %add3A_15 = arith.constant 0 : i32
    %add3A_16 = arith.addi %add3A_15, %mul3A_2 : i32
    %add3A_17 = arith.constant 128 : i32
    %add3A_18 = arith.addi %add3A_16, %add3A_17 : i32
    %dma_start3A_19 = arith.constant 1 : i32
    %dma_start3A_20 = arith.constant 0 : i32
    %dma_start3A_21 = tpu.memref_slice %arg6[%dma_start3A_19, %dma_start3A_20] : memref<8x128xi32, #tpu.memory_space<vmem>> -> memref<1x128xi32, #tpu.memory_space<vmem>>
    %dma_start3A_22 = tpu.memref_squeeze %dma_start3A_21 : memref<1x128xi32, #tpu.memory_space<vmem>> -> memref<128xi32, #tpu.memory_space<vmem>>
    %dma_start3A_23 = tpu.memref_slice %arg3[%add3A_18] : memref<32768xi32, #tpu.memory_space<hbm>> -> memref<128xi32, #tpu.memory_space<hbm>>
    %dma_start3A_24 = arith.constant 0 : i32
    %dma_start3A_25 = tpu.memref_slice %arg6[%dma_start3A_19, %dma_start3A_24] : memref<8x128xi32, #tpu.memory_space<vmem>> -> memref<1x128xi32, #tpu.memory_space<vmem>>
    %dma_start3A_26 = tpu.memref_squeeze %dma_start3A_25 : memref<1x128xi32, #tpu.memory_space<vmem>> -> memref<128xi32, #tpu.memory_space<vmem>>
    %dma_start3A_27 = tpu.memref_slice %arg3[%add3A_18] : memref<32768xi32, #tpu.memory_space<hbm>> -> memref<128xi32, #tpu.memory_space<hbm>>
    tpu.enqueue_dma source(%dma_start3A_27 : memref<128xi32, #tpu.memory_space<hbm>>) target(%dma_start3A_26 : memref<128xi32, #tpu.memory_space<vmem>>) target_semaphore(%arg24 : memref<!tpu.dma_semaphore, #tpu.memory_space<semaphore_mem>>)
    %add3A_28 = arith.constant 8192 : i32
    %add3A_29 = arith.addi %add3A_28, %mul3A_2 : i32
    %add3A_30 = arith.constant 0 : i32
    %add3A_31 = arith.addi %add3A_29, %add3A_30 : i32
    %dma_start3A_32 = arith.constant 2 : i32
    %dma_start3A_33 = arith.constant 0 : i32
    %dma_start3A_34 = tpu.memref_slice %arg6[%dma_start3A_32, %dma_start3A_33] : memref<8x128xi32, #tpu.memory_space<vmem>> -> memref<1x128xi32, #tpu.memory_space<vmem>>
    %dma_start3A_35 = tpu.memref_squeeze %dma_start3A_34 : memref<1x128xi32, #tpu.memory_space<vmem>> -> memref<128xi32, #tpu.memory_space<vmem>>
    %dma_start3A_36 = tpu.memref_slice %arg3[%add3A_31] : memref<32768xi32, #tpu.memory_space<hbm>> -> memref<128xi32, #tpu.memory_space<hbm>>
    %dma_start3A_37 = arith.constant 0 : i32
    %dma_start3A_38 = tpu.memref_slice %arg6[%dma_start3A_32, %dma_start3A_37] : memref<8x128xi32, #tpu.memory_space<vmem>> -> memref<1x128xi32, #tpu.memory_space<vmem>>
    %dma_start3A_39 = tpu.memref_squeeze %dma_start3A_38 : memref<1x128xi32, #tpu.memory_space<vmem>> -> memref<128xi32, #tpu.memory_space<vmem>>
    %dma_start3A_40 = tpu.memref_slice %arg3[%add3A_31] : memref<32768xi32, #tpu.memory_space<hbm>> -> memref<128xi32, #tpu.memory_space<hbm>>
    tpu.enqueue_dma source(%dma_start3A_40 : memref<128xi32, #tpu.memory_space<hbm>>) target(%dma_start3A_39 : memref<128xi32, #tpu.memory_space<vmem>>) target_semaphore(%arg24 : memref<!tpu.dma_semaphore, #tpu.memory_space<semaphore_mem>>)
    %add3A_41 = arith.constant 8192 : i32
    %add3A_42 = arith.addi %add3A_41, %mul3A_2 : i32
    %add3A_43 = arith.constant 128 : i32
    %add3A_44 = arith.addi %add3A_42, %add3A_43 : i32
    %dma_start3A_45 = arith.constant 3 : i32
    %dma_start3A_46 = arith.constant 0 : i32
    %dma_start3A_47 = tpu.memref_slice %arg6[%dma_start3A_45, %dma_start3A_46] : memref<8x128xi32, #tpu.memory_space<vmem>> -> memref<1x128xi32, #tpu.memory_space<vmem>>
    %dma_start3A_48 = tpu.memref_squeeze %dma_start3A_47 : memref<1x128xi32, #tpu.memory_space<vmem>> -> memref<128xi32, #tpu.memory_space<vmem>>
    %dma_start3A_49 = tpu.memref_slice %arg3[%add3A_44] : memref<32768xi32, #tpu.memory_space<hbm>> -> memref<128xi32, #tpu.memory_space<hbm>>
    %dma_start3A_50 = arith.constant 0 : i32
    %dma_start3A_51 = tpu.memref_slice %arg6[%dma_start3A_45, %dma_start3A_50] : memref<8x128xi32, #tpu.memory_space<vmem>> -> memref<1x128xi32, #tpu.memory_space<vmem>>
    %dma_start3A_52 = tpu.memref_squeeze %dma_start3A_51 : memref<1x128xi32, #tpu.memory_space<vmem>> -> memref<128xi32, #tpu.memory_space<vmem>>
    %dma_start3A_53 = tpu.memref_slice %arg3[%add3A_44] : memref<32768xi32, #tpu.memory_space<hbm>> -> memref<128xi32, #tpu.memory_space<hbm>>
    tpu.enqueue_dma source(%dma_start3A_53 : memref<128xi32, #tpu.memory_space<hbm>>) target(%dma_start3A_52 : memref<128xi32, #tpu.memory_space<vmem>>) target_semaphore(%arg24 : memref<!tpu.dma_semaphore, #tpu.memory_space<semaphore_mem>>)
    %add3A_54 = arith.constant 16384 : i32
    %add3A_55 = arith.addi %add3A_54, %mul3A_2 : i32
    %add3A_56 = arith.constant 0 : i32
    %add3A_57 = arith.addi %add3A_55, %add3A_56 : i32
    %dma_start3A_58 = arith.constant 4 : i32
    %dma_start3A_59 = arith.constant 0 : i32
    %dma_start3A_60 = tpu.memref_slice %arg6[%dma_start3A_58, %dma_start3A_59] : memref<8x128xi32, #tpu.memory_space<vmem>> -> memref<1x128xi32, #tpu.memory_space<vmem>>
    %dma_start3A_61 = tpu.memref_squeeze %dma_start3A_60 : memref<1x128xi32, #tpu.memory_space<vmem>> -> memref<128xi32, #tpu.memory_space<vmem>>
    %dma_start3A_62 = tpu.memref_slice %arg3[%add3A_57] : memref<32768xi32, #tpu.memory_space<hbm>> -> memref<128xi32, #tpu.memory_space<hbm>>
    %dma_start3A_63 = arith.constant 0 : i32
    %dma_start3A_64 = tpu.memref_slice %arg6[%dma_start3A_58, %dma_start3A_63] : memref<8x128xi32, #tpu.memory_space<vmem>> -> memref<1x128xi32, #tpu.memory_space<vmem>>
    %dma_start3A_65 = tpu.memref_squeeze %dma_start3A_64 : memref<1x128xi32, #tpu.memory_space<vmem>> -> memref<128xi32, #tpu.memory_space<vmem>>
    %dma_start3A_66 = tpu.memref_slice %arg3[%add3A_57] : memref<32768xi32, #tpu.memory_space<hbm>> -> memref<128xi32, #tpu.memory_space<hbm>>
    tpu.enqueue_dma source(%dma_start3A_66 : memref<128xi32, #tpu.memory_space<hbm>>) target(%dma_start3A_65 : memref<128xi32, #tpu.memory_space<vmem>>) target_semaphore(%arg24 : memref<!tpu.dma_semaphore, #tpu.memory_space<semaphore_mem>>)
    %add3A_67 = arith.constant 16384 : i32
    %add3A_68 = arith.addi %add3A_67, %mul3A_2 : i32
    %add3A_69 = arith.constant 128 : i32
    %add3A_70 = arith.addi %add3A_68, %add3A_69 : i32
    %dma_start3A_71 = arith.constant 5 : i32
    %dma_start3A_72 = arith.constant 0 : i32
    %dma_start3A_73 = tpu.memref_slice %arg6[%dma_start3A_71, %dma_start3A_72] : memref<8x128xi32, #tpu.memory_space<vmem>> -> memref<1x128xi32, #tpu.memory_space<vmem>>
    %dma_start3A_74 = tpu.memref_squeeze %dma_start3A_73 : memref<1x128xi32, #tpu.memory_space<vmem>> -> memref<128xi32, #tpu.memory_space<vmem>>
    %dma_start3A_75 = tpu.memref_slice %arg3[%add3A_70] : memref<32768xi32, #tpu.memory_space<hbm>> -> memref<128xi32, #tpu.memory_space<hbm>>
    %dma_start3A_76 = arith.constant 0 : i32
    %dma_start3A_77 = tpu.memref_slice %arg6[%dma_start3A_71, %dma_start3A_76] : memref<8x128xi32, #tpu.memory_space<vmem>> -> memref<1x128xi32, #tpu.memory_space<vmem>>
    %dma_start3A_78 = tpu.memref_squeeze %dma_start3A_77 : memref<1x128xi32, #tpu.memory_space<vmem>> -> memref<128xi32, #tpu.memory_space<vmem>>
    %dma_start3A_79 = tpu.memref_slice %arg3[%add3A_70] : memref<32768xi32, #tpu.memory_space<hbm>> -> memref<128xi32, #tpu.memory_space<hbm>>
    tpu.enqueue_dma source(%dma_start3A_79 : memref<128xi32, #tpu.memory_space<hbm>>) target(%dma_start3A_78 : memref<128xi32, #tpu.memory_space<vmem>>) target_semaphore(%arg24 : memref<!tpu.dma_semaphore, #tpu.memory_space<semaphore_mem>>)
    %add3A_80 = arith.constant 24576 : i32
    %add3A_81 = arith.addi %add3A_80, %mul3A_2 : i32
    %add3A_82 = arith.constant 0 : i32
    %add3A_83 = arith.addi %add3A_81, %add3A_82 : i32
    %dma_start3A_84 = arith.constant 6 : i32
    %dma_start3A_85 = arith.constant 0 : i32
    %dma_start3A_86 = tpu.memref_slice %arg6[%dma_start3A_84, %dma_start3A_85] : memref<8x128xi32, #tpu.memory_space<vmem>> -> memref<1x128xi32, #tpu.memory_space<vmem>>
    %dma_start3A_87 = tpu.memref_squeeze %dma_start3A_86 : memref<1x128xi32, #tpu.memory_space<vmem>> -> memref<128xi32, #tpu.memory_space<vmem>>
    %dma_start3A_88 = tpu.memref_slice %arg3[%add3A_83] : memref<32768xi32, #tpu.memory_space<hbm>> -> memref<128xi32, #tpu.memory_space<hbm>>
    %dma_start3A_89 = arith.constant 0 : i32
    %dma_start3A_90 = tpu.memref_slice %arg6[%dma_start3A_84, %dma_start3A_89] : memref<8x128xi32, #tpu.memory_space<vmem>> -> memref<1x128xi32, #tpu.memory_space<vmem>>
    %dma_start3A_91 = tpu.memref_squeeze %dma_start3A_90 : memref<1x128xi32, #tpu.memory_space<vmem>> -> memref<128xi32, #tpu.memory_space<vmem>>
    %dma_start3A_92 = tpu.memref_slice %arg3[%add3A_83] : memref<32768xi32, #tpu.memory_space<hbm>> -> memref<128xi32, #tpu.memory_space<hbm>>
    tpu.enqueue_dma source(%dma_start3A_92 : memref<128xi32, #tpu.memory_space<hbm>>) target(%dma_start3A_91 : memref<128xi32, #tpu.memory_space<vmem>>) target_semaphore(%arg24 : memref<!tpu.dma_semaphore, #tpu.memory_space<semaphore_mem>>)
    %add3A_93 = arith.constant 24576 : i32
    %add3A_94 = arith.addi %add3A_93, %mul3A_2 : i32
    %add3A_95 = arith.constant 128 : i32
    %add3A_96 = arith.addi %add3A_94, %add3A_95 : i32
    %dma_start3A_97 = arith.constant 7 : i32
    %dma_start3A_98 = arith.constant 0 : i32
    %dma_start3A_99 = tpu.memref_slice %arg6[%dma_start3A_97, %dma_start3A_98] : memref<8x128xi32, #tpu.memory_space<vmem>> -> memref<1x128xi32, #tpu.memory_space<vmem>>
    %dma_start3A_100 = tpu.memref_squeeze %dma_start3A_99 : memref<1x128xi32, #tpu.memory_space<vmem>> -> memref<128xi32, #tpu.memory_space<vmem>>
    %dma_start3A_101 = tpu.memref_slice %arg3[%add3A_96] : memref<32768xi32, #tpu.memory_space<hbm>> -> memref<128xi32, #tpu.memory_space<hbm>>
    %dma_start3A_102 = arith.constant 0 : i32
    %dma_start3A_103 = tpu.memref_slice %arg6[%dma_start3A_97, %dma_start3A_102] : memref<8x128xi32, #tpu.memory_space<vmem>> -> memref<1x128xi32, #tpu.memory_space<vmem>>
    %dma_start3A_104 = tpu.memref_squeeze %dma_start3A_103 : memref<1x128xi32, #tpu.memory_space<vmem>> -> memref<128xi32, #tpu.memory_space<vmem>>
    %dma_start3A_105 = tpu.memref_slice %arg3[%add3A_96] : memref<32768xi32, #tpu.memory_space<hbm>> -> memref<128xi32, #tpu.memory_space<hbm>>
    tpu.enqueue_dma source(%dma_start3A_105 : memref<128xi32, #tpu.memory_space<hbm>>) target(%dma_start3A_104 : memref<128xi32, #tpu.memory_space<vmem>>) target_semaphore(%arg24 : memref<!tpu.dma_semaphore, #tpu.memory_space<semaphore_mem>>)
    %dma_start3A_106 = arith.constant 0 : i32
    %dma_start3A_107 = tpu.memref_slice %arg4[%mul3A_2, %dma_start3A_106] : memref<8192x128xf32, #tpu.memory_space<hbm>> -> memref<256x128xf32, #tpu.memory_space<hbm>>
    %dma_start3A_108 = arith.constant 0 : i32
    %dma_start3A_109 = tpu.memref_slice %arg4[%mul3A_2, %dma_start3A_108] : memref<8192x128xf32, #tpu.memory_space<hbm>> -> memref<256x128xf32, #tpu.memory_space<hbm>>
    tpu.enqueue_dma source(%dma_start3A_109 : memref<256x128xf32, #tpu.memory_space<hbm>>) target(%arg7 : memref<256x128xf32, #tpu.memory_space<vmem>>) target_semaphore(%arg23 : memref<!tpu.dma_semaphore, #tpu.memory_space<semaphore_mem>>)
    %dma_wait3A = arith.constant 0 : i32
    %dma_wait3A_110 = arith.constant 0 : i32
    %dma_wait3A_111 = tpu.memref_slice %arg6[%dma_wait3A, %dma_wait3A_110] : memref<8x128xi32, #tpu.memory_space<vmem>> -> memref<1x128xi32, #tpu.memory_space<vmem>>
    %dma_wait3A_112 = tpu.memref_squeeze %dma_wait3A_111 : memref<1x128xi32, #tpu.memory_space<vmem>> -> memref<128xi32, #tpu.memory_space<vmem>>
    %dma_wait3A_113 = tpu.memref_slice %arg3[%add3A_6] : memref<32768xi32, #tpu.memory_space<hbm>> -> memref<128xi32, #tpu.memory_space<hbm>>
    %dma_wait3A_114 = arith.constant 0 : i32
    %dma_wait3A_115 = tpu.memref_slice %arg6[%dma_wait3A, %dma_wait3A_114] : memref<8x128xi32, #tpu.memory_space<vmem>> -> memref<1x128xi32, #tpu.memory_space<vmem>>
    %dma_wait3A_116 = tpu.memref_squeeze %dma_wait3A_115 : memref<1x128xi32, #tpu.memory_space<vmem>> -> memref<128xi32, #tpu.memory_space<vmem>>
    %dma_wait3A_117 = tpu.memref_slice %arg3[%add3A_6] : memref<32768xi32, #tpu.memory_space<hbm>> -> memref<128xi32, #tpu.memory_space<hbm>>
    tpu.wait_dma2 semaphore(%arg24 : memref<!tpu.dma_semaphore, #tpu.memory_space<semaphore_mem>>) src(%dma_wait3A_117 : memref<128xi32, #tpu.memory_space<hbm>>) dst(%dma_wait3A_116 : memref<128xi32, #tpu.memory_space<vmem>>)
    %dma_wait3A_118 = arith.constant 1 : i32
    %dma_wait3A_119 = arith.constant 0 : i32
    %dma_wait3A_120 = tpu.memref_slice %arg6[%dma_wait3A_118, %dma_wait3A_119] : memref<8x128xi32, #tpu.memory_space<vmem>> -> memref<1x128xi32, #tpu.memory_space<vmem>>
    %dma_wait3A_121 = tpu.memref_squeeze %dma_wait3A_120 : memref<1x128xi32, #tpu.memory_space<vmem>> -> memref<128xi32, #tpu.memory_space<vmem>>
    %dma_wait3A_122 = tpu.memref_slice %arg3[%add3A_18] : memref<32768xi32, #tpu.memory_space<hbm>> -> memref<128xi32, #tpu.memory_space<hbm>>
    %dma_wait3A_123 = arith.constant 0 : i32
    %dma_wait3A_124 = tpu.memref_slice %arg6[%dma_wait3A_118, %dma_wait3A_123] : memref<8x128xi32, #tpu.memory_space<vmem>> -> memref<1x128xi32, #tpu.memory_space<vmem>>
    %dma_wait3A_125 = tpu.memref_squeeze %dma_wait3A_124 : memref<1x128xi32, #tpu.memory_space<vmem>> -> memref<128xi32, #tpu.memory_space<vmem>>
    %dma_wait3A_126 = tpu.memref_slice %arg3[%add3A_18] : memref<32768xi32, #tpu.memory_space<hbm>> -> memref<128xi32, #tpu.memory_space<hbm>>
    tpu.wait_dma2 semaphore(%arg24 : memref<!tpu.dma_semaphore, #tpu.memory_space<semaphore_mem>>) src(%dma_wait3A_126 : memref<128xi32, #tpu.memory_space<hbm>>) dst(%dma_wait3A_125 : memref<128xi32, #tpu.memory_space<vmem>>)
    %dma_wait3A_127 = arith.constant 2 : i32
    %dma_wait3A_128 = arith.constant 0 : i32
    %dma_wait3A_129 = tpu.memref_slice %arg6[%dma_wait3A_127, %dma_wait3A_128] : memref<8x128xi32, #tpu.memory_space<vmem>> -> memref<1x128xi32, #tpu.memory_space<vmem>>
    %dma_wait3A_130 = tpu.memref_squeeze %dma_wait3A_129 : memref<1x128xi32, #tpu.memory_space<vmem>> -> memref<128xi32, #tpu.memory_space<vmem>>
    %dma_wait3A_131 = tpu.memref_slice %arg3[%add3A_31] : memref<32768xi32, #tpu.memory_space<hbm>> -> memref<128xi32, #tpu.memory_space<hbm>>
    %dma_wait3A_132 = arith.constant 0 : i32
    %dma_wait3A_133 = tpu.memref_slice %arg6[%dma_wait3A_127, %dma_wait3A_132] : memref<8x128xi32, #tpu.memory_space<vmem>> -> memref<1x128xi32, #tpu.memory_space<vmem>>
    %dma_wait3A_134 = tpu.memref_squeeze %dma_wait3A_133 : memref<1x128xi32, #tpu.memory_space<vmem>> -> memref<128xi32, #tpu.memory_space<vmem>>
    %dma_wait3A_135 = tpu.memref_slice %arg3[%add3A_31] : memref<32768xi32, #tpu.memory_space<hbm>> -> memref<128xi32, #tpu.memory_space<hbm>>
    tpu.wait_dma2 semaphore(%arg24 : memref<!tpu.dma_semaphore, #tpu.memory_space<semaphore_mem>>) src(%dma_wait3A_135 : memref<128xi32, #tpu.memory_space<hbm>>) dst(%dma_wait3A_134 : memref<128xi32, #tpu.memory_space<vmem>>)
    %dma_wait3A_136 = arith.constant 3 : i32
    %dma_wait3A_137 = arith.constant 0 : i32
    %dma_wait3A_138 = tpu.memref_slice %arg6[%dma_wait3A_136, %dma_wait3A_137] : memref<8x128xi32, #tpu.memory_space<vmem>> -> memref<1x128xi32, #tpu.memory_space<vmem>>
    %dma_wait3A_139 = tpu.memref_squeeze %dma_wait3A_138 : memref<1x128xi32, #tpu.memory_space<vmem>> -> memref<128xi32, #tpu.memory_space<vmem>>
    %dma_wait3A_140 = tpu.memref_slice %arg3[%add3A_44] : memref<32768xi32, #tpu.memory_space<hbm>> -> memref<128xi32, #tpu.memory_space<hbm>>
    %dma_wait3A_141 = arith.constant 0 : i32
    %dma_wait3A_142 = tpu.memref_slice %arg6[%dma_wait3A_136, %dma_wait3A_141] : memref<8x128xi32, #tpu.memory_space<vmem>> -> memref<1x128xi32, #tpu.memory_space<vmem>>
    %dma_wait3A_143 = tpu.memref_squeeze %dma_wait3A_142 : memref<1x128xi32, #tpu.memory_space<vmem>> -> memref<128xi32, #tpu.memory_space<vmem>>
    %dma_wait3A_144 = tpu.memref_slice %arg3[%add3A_44] : memref<32768xi32, #tpu.memory_space<hbm>> -> memref<128xi32, #tpu.memory_space<hbm>>
    tpu.wait_dma2 semaphore(%arg24 : memref<!tpu.dma_semaphore, #tpu.memory_space<semaphore_mem>>) src(%dma_wait3A_144 : memref<128xi32, #tpu.memory_space<hbm>>) dst(%dma_wait3A_143 : memref<128xi32, #tpu.memory_space<vmem>>)
    %dma_wait3A_145 = arith.constant 4 : i32
    %dma_wait3A_146 = arith.constant 0 : i32
    %dma_wait3A_147 = tpu.memref_slice %arg6[%dma_wait3A_145, %dma_wait3A_146] : memref<8x128xi32, #tpu.memory_space<vmem>> -> memref<1x128xi32, #tpu.memory_space<vmem>>
    %dma_wait3A_148 = tpu.memref_squeeze %dma_wait3A_147 : memref<1x128xi32, #tpu.memory_space<vmem>> -> memref<128xi32, #tpu.memory_space<vmem>>
    %dma_wait3A_149 = tpu.memref_slice %arg3[%add3A_57] : memref<32768xi32, #tpu.memory_space<hbm>> -> memref<128xi32, #tpu.memory_space<hbm>>
    %dma_wait3A_150 = arith.constant 0 : i32
    %dma_wait3A_151 = tpu.memref_slice %arg6[%dma_wait3A_145, %dma_wait3A_150] : memref<8x128xi32, #tpu.memory_space<vmem>> -> memref<1x128xi32, #tpu.memory_space<vmem>>
    %dma_wait3A_152 = tpu.memref_squeeze %dma_wait3A_151 : memref<1x128xi32, #tpu.memory_space<vmem>> -> memref<128xi32, #tpu.memory_space<vmem>>
    %dma_wait3A_153 = tpu.memref_slice %arg3[%add3A_57] : memref<32768xi32, #tpu.memory_space<hbm>> -> memref<128xi32, #tpu.memory_space<hbm>>
    tpu.wait_dma2 semaphore(%arg24 : memref<!tpu.dma_semaphore, #tpu.memory_space<semaphore_mem>>) src(%dma_wait3A_153 : memref<128xi32, #tpu.memory_space<hbm>>) dst(%dma_wait3A_152 : memref<128xi32, #tpu.memory_space<vmem>>)
    %dma_wait3A_154 = arith.constant 5 : i32
    %dma_wait3A_155 = arith.constant 0 : i32
    %dma_wait3A_156 = tpu.memref_slice %arg6[%dma_wait3A_154, %dma_wait3A_155] : memref<8x128xi32, #tpu.memory_space<vmem>> -> memref<1x128xi32, #tpu.memory_space<vmem>>
    %dma_wait3A_157 = tpu.memref_squeeze %dma_wait3A_156 : memref<1x128xi32, #tpu.memory_space<vmem>> -> memref<128xi32, #tpu.memory_space<vmem>>
    %dma_wait3A_158 = tpu.memref_slice %arg3[%add3A_70] : memref<32768xi32, #tpu.memory_space<hbm>> -> memref<128xi32, #tpu.memory_space<hbm>>
    %dma_wait3A_159 = arith.constant 0 : i32
    %dma_wait3A_160 = tpu.memref_slice %arg6[%dma_wait3A_154, %dma_wait3A_159] : memref<8x128xi32, #tpu.memory_space<vmem>> -> memref<1x128xi32, #tpu.memory_space<vmem>>
    %dma_wait3A_161 = tpu.memref_squeeze %dma_wait3A_160 : memref<1x128xi32, #tpu.memory_space<vmem>> -> memref<128xi32, #tpu.memory_space<vmem>>
    %dma_wait3A_162 = tpu.memref_slice %arg3[%add3A_70] : memref<32768xi32, #tpu.memory_space<hbm>> -> memref<128xi32, #tpu.memory_space<hbm>>
    tpu.wait_dma2 semaphore(%arg24 : memref<!tpu.dma_semaphore, #tpu.memory_space<semaphore_mem>>) src(%dma_wait3A_162 : memref<128xi32, #tpu.memory_space<hbm>>) dst(%dma_wait3A_161 : memref<128xi32, #tpu.memory_space<vmem>>)
    %dma_wait3A_163 = arith.constant 6 : i32
    %dma_wait3A_164 = arith.constant 0 : i32
    %dma_wait3A_165 = tpu.memref_slice %arg6[%dma_wait3A_163, %dma_wait3A_164] : memref<8x128xi32, #tpu.memory_space<vmem>> -> memref<1x128xi32, #tpu.memory_space<vmem>>
    %dma_wait3A_166 = tpu.memref_squeeze %dma_wait3A_165 : memref<1x128xi32, #tpu.memory_space<vmem>> -> memref<128xi32, #tpu.memory_space<vmem>>
    %dma_wait3A_167 = tpu.memref_slice %arg3[%add3A_83] : memref<32768xi32, #tpu.memory_space<hbm>> -> memref<128xi32, #tpu.memory_space<hbm>>
    %dma_wait3A_168 = arith.constant 0 : i32
    %dma_wait3A_169 = tpu.memref_slice %arg6[%dma_wait3A_163, %dma_wait3A_168] : memref<8x128xi32, #tpu.memory_space<vmem>> -> memref<1x128xi32, #tpu.memory_space<vmem>>
    %dma_wait3A_170 = tpu.memref_squeeze %dma_wait3A_169 : memref<1x128xi32, #tpu.memory_space<vmem>> -> memref<128xi32, #tpu.memory_space<vmem>>
    %dma_wait3A_171 = tpu.memref_slice %arg3[%add3A_83] : memref<32768xi32, #tpu.memory_space<hbm>> -> memref<128xi32, #tpu.memory_space<hbm>>
    tpu.wait_dma2 semaphore(%arg24 : memref<!tpu.dma_semaphore, #tpu.memory_space<semaphore_mem>>) src(%dma_wait3A_171 : memref<128xi32, #tpu.memory_space<hbm>>) dst(%dma_wait3A_170 : memref<128xi32, #tpu.memory_space<vmem>>)
    %dma_wait3A_172 = arith.constant 7 : i32
    %dma_wait3A_173 = arith.constant 0 : i32
    %dma_wait3A_174 = tpu.memref_slice %arg6[%dma_wait3A_172, %dma_wait3A_173] : memref<8x128xi32, #tpu.memory_space<vmem>> -> memref<1x128xi32, #tpu.memory_space<vmem>>
    %dma_wait3A_175 = tpu.memref_squeeze %dma_wait3A_174 : memref<1x128xi32, #tpu.memory_space<vmem>> -> memref<128xi32, #tpu.memory_space<vmem>>
    %dma_wait3A_176 = tpu.memref_slice %arg3[%add3A_96] : memref<32768xi32, #tpu.memory_space<hbm>> -> memref<128xi32, #tpu.memory_space<hbm>>
    %dma_wait3A_177 = arith.constant 0 : i32
    %dma_wait3A_178 = tpu.memref_slice %arg6[%dma_wait3A_172, %dma_wait3A_177] : memref<8x128xi32, #tpu.memory_space<vmem>> -> memref<1x128xi32, #tpu.memory_space<vmem>>
    %dma_wait3A_179 = tpu.memref_squeeze %dma_wait3A_178 : memref<1x128xi32, #tpu.memory_space<vmem>> -> memref<128xi32, #tpu.memory_space<vmem>>
    %dma_wait3A_180 = tpu.memref_slice %arg3[%add3A_96] : memref<32768xi32, #tpu.memory_space<hbm>> -> memref<128xi32, #tpu.memory_space<hbm>>
    tpu.wait_dma2 semaphore(%arg24 : memref<!tpu.dma_semaphore, #tpu.memory_space<semaphore_mem>>) src(%dma_wait3A_180 : memref<128xi32, #tpu.memory_space<hbm>>) dst(%dma_wait3A_179 : memref<128xi32, #tpu.memory_space<vmem>>)
    %dma_start3A_181 = arith.constant 0 : i32
    %dma_start3A_182 = arith.constant 0 : i32
    %dma_start3A_183 = tpu.memref_slice %arg6[%dma_start3A_181, %dma_start3A_182] : memref<8x128xi32, #tpu.memory_space<vmem>> -> memref<1x128xi32, #tpu.memory_space<vmem>>
    %dma_start3A_184 = tpu.memref_squeeze %dma_start3A_183 : memref<1x128xi32, #tpu.memory_space<vmem>> -> memref<128xi32, #tpu.memory_space<vmem>>
    %dma_start3A_185 = arith.constant 0 : i32
    %dma_start3A_186 = arith.constant 0 : i32
    %dma_start3A_187 = tpu.memref_slice %arg2[%dma_start3A_185, %dma_start3A_186] : memref<100000x128xf32, #tpu.memory_space<hbm>> -> memref<100000x128xf32, #tpu.memory_space<hbm>>
    tpu.enqueue_indirect_dma source(%dma_start3A_187 : memref<100000x128xf32, #tpu.memory_space<hbm>>) target(%arg8 : memref<128x128xf32, #tpu.memory_space<vmem>>) offsets(%dma_start3A_184 : memref<128xi32, #tpu.memory_space<vmem>>) semaphore(%arg13 : memref<!tpu.dma_semaphore, #tpu.memory_space<semaphore_mem>>)
    %dma_start3A_188 = arith.constant 1 : i32
    %dma_start3A_189 = arith.constant 0 : i32
    %dma_start3A_190 = tpu.memref_slice %arg6[%dma_start3A_188, %dma_start3A_189] : memref<8x128xi32, #tpu.memory_space<vmem>> -> memref<1x128xi32, #tpu.memory_space<vmem>>
    %dma_start3A_191 = tpu.memref_squeeze %dma_start3A_190 : memref<1x128xi32, #tpu.memory_space<vmem>> -> memref<128xi32, #tpu.memory_space<vmem>>
    %dma_start3A_192 = arith.constant 0 : i32
    %dma_start3A_193 = arith.constant 0 : i32
    %dma_start3A_194 = tpu.memref_slice %arg2[%dma_start3A_192, %dma_start3A_193] : memref<100000x128xf32, #tpu.memory_space<hbm>> -> memref<100000x128xf32, #tpu.memory_space<hbm>>
    tpu.enqueue_indirect_dma source(%dma_start3A_194 : memref<100000x128xf32, #tpu.memory_space<hbm>>) target(%arg9 : memref<128x128xf32, #tpu.memory_space<vmem>>) offsets(%dma_start3A_191 : memref<128xi32, #tpu.memory_space<vmem>>) semaphore(%arg14 : memref<!tpu.dma_semaphore, #tpu.memory_space<semaphore_mem>>)
    %dma_start3A_195 = arith.constant 2 : i32
    %dma_start3A_196 = arith.constant 0 : i32
    %dma_start3A_197 = tpu.memref_slice %arg6[%dma_start3A_195, %dma_start3A_196] : memref<8x128xi32, #tpu.memory_space<vmem>> -> memref<1x128xi32, #tpu.memory_space<vmem>>
    %dma_start3A_198 = tpu.memref_squeeze %dma_start3A_197 : memref<1x128xi32, #tpu.memory_space<vmem>> -> memref<128xi32, #tpu.memory_space<vmem>>
    %dma_start3A_199 = arith.constant 0 : i32
    %dma_start3A_200 = arith.constant 0 : i32
    %dma_start3A_201 = tpu.memref_slice %arg2[%dma_start3A_199, %dma_start3A_200] : memref<100000x128xf32, #tpu.memory_space<hbm>> -> memref<100000x128xf32, #tpu.memory_space<hbm>>
    tpu.enqueue_indirect_dma source(%dma_start3A_201 : memref<100000x128xf32, #tpu.memory_space<hbm>>) target(%arg10 : memref<128x128xf32, #tpu.memory_space<vmem>>) offsets(%dma_start3A_198 : memref<128xi32, #tpu.memory_space<vmem>>) semaphore(%arg15 : memref<!tpu.dma_semaphore, #tpu.memory_space<semaphore_mem>>)
    %dma_start3A_202 = arith.constant 3 : i32
    %dma_start3A_203 = arith.constant 0 : i32
    %dma_start3A_204 = tpu.memref_slice %arg6[%dma_start3A_202, %dma_start3A_203] : memref<8x128xi32, #tpu.memory_space<vmem>> -> memref<1x128xi32, #tpu.memory_space<vmem>>
    %dma_start3A_205 = tpu.memref_squeeze %dma_start3A_204 : memref<1x128xi32, #tpu.memory_space<vmem>> -> memref<128xi32, #tpu.memory_space<vmem>>
    %dma_start3A_206 = arith.constant 0 : i32
    %dma_start3A_207 = arith.constant 0 : i32
    %dma_start3A_208 = tpu.memref_slice %arg2[%dma_start3A_206, %dma_start3A_207] : memref<100000x128xf32, #tpu.memory_space<hbm>> -> memref<100000x128xf32, #tpu.memory_space<hbm>>
    tpu.enqueue_indirect_dma source(%dma_start3A_208 : memref<100000x128xf32, #tpu.memory_space<hbm>>) target(%arg11 : memref<128x128xf32, #tpu.memory_space<vmem>>) offsets(%dma_start3A_205 : memref<128xi32, #tpu.memory_space<vmem>>) semaphore(%arg16 : memref<!tpu.dma_semaphore, #tpu.memory_space<semaphore_mem>>)
    %dma_wait3A_209 = arith.constant 0 : i32
    %dma_wait3A_210 = tpu.memref_slice %arg4[%mul3A_2, %dma_wait3A_209] : memref<8192x128xf32, #tpu.memory_space<hbm>> -> memref<256x128xf32, #tpu.memory_space<hbm>>
    %dma_wait3A_211 = arith.constant 0 : i32
    %dma_wait3A_212 = tpu.memref_slice %arg4[%mul3A_2, %dma_wait3A_211] : memref<8192x128xf32, #tpu.memory_space<hbm>> -> memref<256x128xf32, #tpu.memory_space<hbm>>
    tpu.wait_dma2 semaphore(%arg23 : memref<!tpu.dma_semaphore, #tpu.memory_space<semaphore_mem>>) src(%dma_wait3A_212 : memref<256x128xf32, #tpu.memory_space<hbm>>) dst(%arg7 : memref<256x128xf32, #tpu.memory_space<vmem>>)
    %dma_wait3A_213 = arith.constant 0 : i32
    %dma_wait3A_214 = arith.constant 0 : i32
    %dma_wait3A_215 = tpu.memref_slice %arg6[%dma_wait3A_213, %dma_wait3A_214] : memref<8x128xi32, #tpu.memory_space<vmem>> -> memref<1x128xi32, #tpu.memory_space<vmem>>
    %dma_wait3A_216 = tpu.memref_squeeze %dma_wait3A_215 : memref<1x128xi32, #tpu.memory_space<vmem>> -> memref<128xi32, #tpu.memory_space<vmem>>
    %dma_wait3A_217 = arith.constant 0 : i32
    %dma_wait3A_218 = arith.constant 0 : i32
    %dma_wait3A_219 = tpu.memref_slice %arg2[%dma_wait3A_217, %dma_wait3A_218] : memref<100000x128xf32, #tpu.memory_space<hbm>> -> memref<100000x128xf32, #tpu.memory_space<hbm>>
    tpu.wait_indirect_dma semaphore(%arg13 : memref<!tpu.dma_semaphore, #tpu.memory_space<semaphore_mem>>) src(%dma_wait3A_219 : memref<100000x128xf32, #tpu.memory_space<hbm>>) dst(%arg8 : memref<128x128xf32, #tpu.memory_space<vmem>>)
    %scan3A = arith.constant 0 : i32
    %scan3A_220 = arith.constant 128 : i32
    %scan3A_221 = arith.addi %scan3A, %scan3A_220 : i32
    %scan3A_222 = arith.constant 1 : i32
    scf.for %scan3A_432 = %scan3A to %scan3A_221 step %scan3A_222  : i32 {
      %mul3A_433 = arith.constant 1 : i32
      %mul3A_434 = arith.muli %scan3A_432, %mul3A_433 : i32
      %add3A_435 = arith.constant 0 : i32
      %add3A_436 = arith.addi %add3A_435, %mul3A_434 : i32
      %add3A_437 = arith.constant 0 : i32
      %add3A_438 = arith.addi %add3A_437, %add3A_436 : i32
      %get3A = arith.index_cast %add3A_436 : i32 to index
      %get3A_439 = arith.constant 0 : index
      %get3A_440 = tpu.vector_load %arg8[%get3A, %get3A_439] {strides = array<i32>} : memref<128x128xf32, #tpu.memory_space<vmem>>, vector<1x16xf32>,
      %get3A_441 = vector.shape_cast %get3A_440 : vector<1x16xf32> to vector<1x16xf32>
      %get3A_442 = arith.index_cast %add3A_438 : i32 to index
      %get3A_443 = arith.constant 0 : index
      %get3A_444 = tpu.vector_load %arg7[%get3A_442, %get3A_443] {strides = array<i32>} : memref<256x128xf32, #tpu.memory_space<vmem>>, vector<1x16xf32>,
      %get3A_445 = vector.shape_cast %get3A_444 : vector<1x16xf32> to vector<1x16xf32>
      %add3A_446 = arith.addf %get3A_441, %get3A_445 : vector<1x16xf32>
      %swap3A = arith.index_cast %add3A_436 : i32 to index
      %swap3A_447 = arith.constant 0 : index
      %swap3A_448 = tpu.vector_load %arg8[%swap3A, %swap3A_447] {strides = array<i32>} : memref<128x128xf32, #tpu.memory_space<vmem>>, vector<1x16xf32>,
      %swap3A_449 = vector.shape_cast %swap3A_448 : vector<1x16xf32> to vector<1x16xf32>
      %swap3A_450 = vector.shape_cast %add3A_446 : vector<1x16xf32> to vector<1x16xf32>
      tpu.vector_store %arg8[%swap3A, %swap3A_447], %swap3A_450 {strides = array<i32>} : memref<128x128xf32, #tpu.memory_space<vmem>>, vector<1x16xf32>,
      %add3A_451 = arith.constant 0 : i32
      %add3A_452 = arith.addi %add3A_451, %add3A_436 : i32
      %get3A_453 = arith.index_cast %add3A_436 : i32 to index
      %get3A_454 = arith.constant 16 : index
      %get3A_455 = tpu.vector_load %arg8[%get3A_453, %get3A_454] {strides = array<i32>} : memref<128x128xf32, #tpu.memory_space<vmem>>, vector<1x16xf32>,
      %get3A_456 = vector.shape_cast %get3A_455 : vector<1x16xf32> to vector<1x16xf32>
      %get3A_457 = arith.index_cast %add3A_452 : i32 to index
      %get3A_458 = arith.constant 16 : index
      %get3A_459 = tpu.vector_load %arg7[%get3A_457, %get3A_458] {strides = array<i32>} : memref<256x128xf32, #tpu.memory_space<vmem>>, vector<1x16xf32>,
      %get3A_460 = vector.shape_cast %get3A_459 : vector<1x16xf32> to vector<1x16xf32>
      %add3A_461 = arith.addf %get3A_456, %get3A_460 : vector<1x16xf32>
      %swap3A_462 = arith.index_cast %add3A_436 : i32 to index
      %swap3A_463 = arith.constant 16 : index
      %swap3A_464 = tpu.vector_load %arg8[%swap3A_462, %swap3A_463] {strides = array<i32>} : memref<128x128xf32, #tpu.memory_space<vmem>>, vector<1x16xf32>,
      %swap3A_465 = vector.shape_cast %swap3A_464 : vector<1x16xf32> to vector<1x16xf32>
      %swap3A_466 = vector.shape_cast %add3A_461 : vector<1x16xf32> to vector<1x16xf32>
      tpu.vector_store %arg8[%swap3A_462, %swap3A_463], %swap3A_466 {strides = array<i32>} : memref<128x128xf32, #tpu.memory_space<vmem>>, vector<1x16xf32>,
      %add3A_467 = arith.constant 0 : i32
      %add3A_468 = arith.addi %add3A_467, %add3A_436 : i32
      %get3A_469 = arith.index_cast %add3A_436 : i32 to index
      %get3A_470 = arith.constant 32 : index
      %get3A_471 = tpu.vector_load %arg8[%get3A_469, %get3A_470] {strides = array<i32>} : memref<128x128xf32, #tpu.memory_space<vmem>>, vector<1x16xf32>,
      %get3A_472 = vector.shape_cast %get3A_471 : vector<1x16xf32> to vector<1x16xf32>
      %get3A_473 = arith.index_cast %add3A_468 : i32 to index
      %get3A_474 = arith.constant 32 : index
      %get3A_475 = tpu.vector_load %arg7[%get3A_473, %get3A_474] {strides = array<i32>} : memref<256x128xf32, #tpu.memory_space<vmem>>, vector<1x16xf32>,
      %get3A_476 = vector.shape_cast %get3A_475 : vector<1x16xf32> to vector<1x16xf32>
      %add3A_477 = arith.addf %get3A_472, %get3A_476 : vector<1x16xf32>
      %swap3A_478 = arith.index_cast %add3A_436 : i32 to index
      %swap3A_479 = arith.constant 32 : index
      %swap3A_480 = tpu.vector_load %arg8[%swap3A_478, %swap3A_479] {strides = array<i32>} : memref<128x128xf32, #tpu.memory_space<vmem>>, vector<1x16xf32>,
      %swap3A_481 = vector.shape_cast %swap3A_480 : vector<1x16xf32> to vector<1x16xf32>
      %swap3A_482 = vector.shape_cast %add3A_477 : vector<1x16xf32> to vector<1x16xf32>
      tpu.vector_store %arg8[%swap3A_478, %swap3A_479], %swap3A_482 {strides = array<i32>} : memref<128x128xf32, #tpu.memory_space<vmem>>, vector<1x16xf32>,
      %add3A_483 = arith.constant 0 : i32
      %add3A_484 = arith.addi %add3A_483, %add3A_436 : i32
      %get3A_485 = arith.index_cast %add3A_436 : i32 to index
      %get3A_486 = arith.constant 48 : index
      %get3A_487 = tpu.vector_load %arg8[%get3A_485, %get3A_486] {strides = array<i32>} : memref<128x128xf32, #tpu.memory_space<vmem>>, vector<1x16xf32>,
      %get3A_488 = vector.shape_cast %get3A_487 : vector<1x16xf32> to vector<1x16xf32>
      %get3A_489 = arith.index_cast %add3A_484 : i32 to index
      %get3A_490 = arith.constant 48 : index
      %get3A_491 = tpu.vector_load %arg7[%get3A_489, %get3A_490] {strides = array<i32>} : memref<256x128xf32, #tpu.memory_space<vmem>>, vector<1x16xf32>,
      %get3A_492 = vector.shape_cast %get3A_491 : vector<1x16xf32> to vector<1x16xf32>
      %add3A_493 = arith.addf %get3A_488, %get3A_492 : vector<1x16xf32>
      %swap3A_494 = arith.index_cast %add3A_436 : i32 to index
      %swap3A_495 = arith.constant 48 : index
      %swap3A_496 = tpu.vector_load %arg8[%swap3A_494, %swap3A_495] {strides = array<i32>} : memref<128x128xf32, #tpu.memory_space<vmem>>, vector<1x16xf32>,
      %swap3A_497 = vector.shape_cast %swap3A_496 : vector<1x16xf32> to vector<1x16xf32>
      %swap3A_498 = vector.shape_cast %add3A_493 : vector<1x16xf32> to vector<1x16xf32>
      tpu.vector_store %arg8[%swap3A_494, %swap3A_495], %swap3A_498 {strides = array<i32>} : memref<128x128xf32, #tpu.memory_space<vmem>>, vector<1x16xf32>,
      %add3A_499 = arith.constant 0 : i32
      %add3A_500 = arith.addi %add3A_499, %add3A_436 : i32
      %get3A_501 = arith.index_cast %add3A_436 : i32 to index
      %get3A_502 = arith.constant 64 : index
      %get3A_503 = tpu.vector_load %arg8[%get3A_501, %get3A_502] {strides = array<i32>} : memref<128x128xf32, #tpu.memory_space<vmem>>, vector<1x16xf32>,
      %get3A_504 = vector.shape_cast %get3A_503 : vector<1x16xf32> to vector<1x16xf32>
      %get3A_505 = arith.index_cast %add3A_500 : i32 to index
      %get3A_506 = arith.constant 64 : index
      %get3A_507 = tpu.vector_load %arg7[%get3A_505, %get3A_506] {strides = array<i32>} : memref<256x128xf32, #tpu.memory_space<vmem>>, vector<1x16xf32>,
      %get3A_508 = vector.shape_cast %get3A_507 : vector<1x16xf32> to vector<1x16xf32>
      %add3A_509 = arith.addf %get3A_504, %get3A_508 : vector<1x16xf32>
      %swap3A_510 = arith.index_cast %add3A_436 : i32 to index
      %swap3A_511 = arith.constant 64 : index
      %swap3A_512 = tpu.vector_load %arg8[%swap3A_510, %swap3A_511] {strides = array<i32>} : memref<128x128xf32, #tpu.memory_space<vmem>>, vector<1x16xf32>,
      %swap3A_513 = vector.shape_cast %swap3A_512 : vector<1x16xf32> to vector<1x16xf32>
      %swap3A_514 = vector.shape_cast %add3A_509 : vector<1x16xf32> to vector<1x16xf32>
      tpu.vector_store %arg8[%swap3A_510, %swap3A_511], %swap3A_514 {strides = array<i32>} : memref<128x128xf32, #tpu.memory_space<vmem>>, vector<1x16xf32>,
      %add3A_515 = arith.constant 0 : i32
      %add3A_516 = arith.addi %add3A_515, %add3A_436 : i32
      %get3A_517 = arith.index_cast %add3A_436 : i32 to index
      %get3A_518 = arith.constant 80 : index
      %get3A_519 = tpu.vector_load %arg8[%get3A_517, %get3A_518] {strides = array<i32>} : memref<128x128xf32, #tpu.memory_space<vmem>>, vector<1x16xf32>,
      %get3A_520 = vector.shape_cast %get3A_519 : vector<1x16xf32> to vector<1x16xf32>
      %get3A_521 = arith.index_cast %add3A_516 : i32 to index
      %get3A_522 = arith.constant 80 : index
      %get3A_523 = tpu.vector_load %arg7[%get3A_521, %get3A_522] {strides = array<i32>} : memref<256x128xf32, #tpu.memory_space<vmem>>, vector<1x16xf32>,
      %get3A_524 = vector.shape_cast %get3A_523 : vector<1x16xf32> to vector<1x16xf32>
      %add3A_525 = arith.addf %get3A_520, %get3A_524 : vector<1x16xf32>
      %swap3A_526 = arith.index_cast %add3A_436 : i32 to index
      %swap3A_527 = arith.constant 80 : index
      %swap3A_528 = tpu.vector_load %arg8[%swap3A_526, %swap3A_527] {strides = array<i32>} : memref<128x128xf32, #tpu.memory_space<vmem>>, vector<1x16xf32>,
      %swap3A_529 = vector.shape_cast %swap3A_528 : vector<1x16xf32> to vector<1x16xf32>
      %swap3A_530 = vector.shape_cast %add3A_525 : vector<1x16xf32> to vector<1x16xf32>
      tpu.vector_store %arg8[%swap3A_526, %swap3A_527], %swap3A_530 {strides = array<i32>} : memref<128x128xf32, #tpu.memory_space<vmem>>, vector<1x16xf32>,
      %add3A_531 = arith.constant 0 : i32
      %add3A_532 = arith.addi %add3A_531, %add3A_436 : i32
      %get3A_533 = arith.index_cast %add3A_436 : i32 to index
      %get3A_534 = arith.constant 96 : index
      %get3A_535 = tpu.vector_load %arg8[%get3A_533, %get3A_534] {strides = array<i32>} : memref<128x128xf32, #tpu.memory_space<vmem>>, vector<1x16xf32>,
      %get3A_536 = vector.shape_cast %get3A_535 : vector<1x16xf32> to vector<1x16xf32>
      %get3A_537 = arith.index_cast %add3A_532 : i32 to index
      %get3A_538 = arith.constant 96 : index
      %get3A_539 = tpu.vector_load %arg7[%get3A_537, %get3A_538] {strides = array<i32>} : memref<256x128xf32, #tpu.memory_space<vmem>>, vector<1x16xf32>,
      %get3A_540 = vector.shape_cast %get3A_539 : vector<1x16xf32> to vector<1x16xf32>
      %add3A_541 = arith.addf %get3A_536, %get3A_540 : vector<1x16xf32>
      %swap3A_542 = arith.index_cast %add3A_436 : i32 to index
      %swap3A_543 = arith.constant 96 : index
      %swap3A_544 = tpu.vector_load %arg8[%swap3A_542, %swap3A_543] {strides = array<i32>} : memref<128x128xf32, #tpu.memory_space<vmem>>, vector<1x16xf32>,
      %swap3A_545 = vector.shape_cast %swap3A_544 : vector<1x16xf32> to vector<1x16xf32>
      %swap3A_546 = vector.shape_cast %add3A_541 : vector<1x16xf32> to vector<1x16xf32>
      tpu.vector_store %arg8[%swap3A_542, %swap3A_543], %swap3A_546 {strides = array<i32>} : memref<128x128xf32, #tpu.memory_space<vmem>>, vector<1x16xf32>,
      %add3A_547 = arith.constant 0 : i32
      %add3A_548 = arith.addi %add3A_547, %add3A_436 : i32
      %get3A_549 = arith.index_cast %add3A_436 : i32 to index
      %get3A_550 = arith.constant 112 : index
      %get3A_551 = tpu.vector_load %arg8[%get3A_549, %get3A_550] {strides = array<i32>} : memref<128x128xf32, #tpu.memory_space<vmem>>, vector<1x16xf32>,
      %get3A_552 = vector.shape_cast %get3A_551 : vector<1x16xf32> to vector<1x16xf32>
      %get3A_553 = arith.index_cast %add3A_548 : i32 to index
      %get3A_554 = arith.constant 112 : index
      %get3A_555 = tpu.vector_load %arg7[%get3A_553, %get3A_554] {strides = array<i32>} : memref<256x128xf32, #tpu.memory_space<vmem>>, vector<1x16xf32>,
      %get3A_556 = vector.shape_cast %get3A_555 : vector<1x16xf32> to vector<1x16xf32>
      %add3A_557 = arith.addf %get3A_552, %get3A_556 : vector<1x16xf32>
      %swap3A_558 = arith.index_cast %add3A_436 : i32 to index
      %swap3A_559 = arith.constant 112 : index
      %swap3A_560 = tpu.vector_load %arg8[%swap3A_558, %swap3A_559] {strides = array<i32>} : memref<128x128xf32, #tpu.memory_space<vmem>>, vector<1x16xf32>,
      %swap3A_561 = vector.shape_cast %swap3A_560 : vector<1x16xf32> to vector<1x16xf32>
      %swap3A_562 = vector.shape_cast %add3A_557 : vector<1x16xf32> to vector<1x16xf32>
      tpu.vector_store %arg8[%swap3A_558, %swap3A_559], %swap3A_562 {strides = array<i32>} : memref<128x128xf32, #tpu.memory_space<vmem>>, vector<1x16xf32>,
    }
    %scan3A_223 = arith.constant 128 : i32
    %add3A_224 = arith.constant 0 : i32
    %add3A_225 = arith.addi %add3A_224, %mul3A_2 : i32
    %add3A_226 = arith.constant 0 : i32
    %add3A_227 = arith.addi %add3A_225, %add3A_226 : i32
    %dma_start3A_228 = arith.constant 0 : i32
    %dma_start3A_229 = tpu.memref_slice %arg5[%add3A_227, %dma_start3A_228] : memref<32768x128xf32, #tpu.memory_space<hbm>> -> memref<128x128xf32, #tpu.memory_space<hbm>>
    %dma_start3A_230 = arith.constant 0 : i32
    %dma_start3A_231 = tpu.memref_slice %arg5[%add3A_227, %dma_start3A_230] : memref<32768x128xf32, #tpu.memory_space<hbm>> -> memref<128x128xf32, #tpu.memory_space<hbm>>
    tpu.enqueue_dma source(%arg8 : memref<128x128xf32, #tpu.memory_space<vmem>>) target(%dma_start3A_231 : memref<128x128xf32, #tpu.memory_space<hbm>>) target_semaphore(%arg18 : memref<!tpu.dma_semaphore, #tpu.memory_space<semaphore_mem>>)
    %dma_start3A_232 = arith.constant 4 : i32
    %dma_start3A_233 = arith.constant 0 : i32
    %dma_start3A_234 = tpu.memref_slice %arg6[%dma_start3A_232, %dma_start3A_233] : memref<8x128xi32, #tpu.memory_space<vmem>> -> memref<1x128xi32, #tpu.memory_space<vmem>>
    %dma_start3A_235 = tpu.memref_squeeze %dma_start3A_234 : memref<1x128xi32, #tpu.memory_space<vmem>> -> memref<128xi32, #tpu.memory_space<vmem>>
    %dma_start3A_236 = arith.constant 0 : i32
    %dma_start3A_237 = arith.constant 0 : i32
    %dma_start3A_238 = tpu.memref_slice %arg2[%dma_start3A_236, %dma_start3A_237] : memref<100000x128xf32, #tpu.memory_space<hbm>> -> memref<100000x128xf32, #tpu.memory_space<hbm>>
    tpu.enqueue_indirect_dma source(%dma_start3A_238 : memref<100000x128xf32, #tpu.memory_space<hbm>>) target(%arg12 : memref<128x128xf32, #tpu.memory_space<vmem>>) offsets(%dma_start3A_235 : memref<128xi32, #tpu.memory_space<vmem>>) semaphore(%arg17 : memref<!tpu.dma_semaphore, #tpu.memory_space<semaphore_mem>>)
    %dma_wait3A_239 = arith.constant 1 : i32
    %dma_wait3A_240 = arith.constant 0 : i32
    %dma_wait3A_241 = tpu.memref_slice %arg6[%dma_wait3A_239, %dma_wait3A_240] : memref<8x128xi32, #tpu.memory_space<vmem>> -> memref<1x128xi32, #tpu.memory_space<vmem>>
    %dma_wait3A_242 = tpu.memref_squeeze %dma_wait3A_241 : memref<1x128xi32, #tpu.memory_space<vmem>> -> memref<128xi32, #tpu.memory_space<vmem>>
    %dma_wait3A_243 = arith.constant 0 : i32
    %dma_wait3A_244 = arith.constant 0 : i32
    %dma_wait3A_245 = tpu.memref_slice %arg2[%dma_wait3A_243, %dma_wait3A_244] : memref<100000x128xf32, #tpu.memory_space<hbm>> -> memref<100000x128xf32, #tpu.memory_space<hbm>>
    tpu.wait_indirect_dma semaphore(%arg14 : memref<!tpu.dma_semaphore, #tpu.memory_space<semaphore_mem>>) src(%dma_wait3A_245 : memref<100000x128xf32, #tpu.memory_space<hbm>>) dst(%arg9 : memref<128x128xf32, #tpu.memory_space<vmem>>)
    %scan3A_246 = arith.constant 0 : i32
    %scan3A_247 = arith.constant 128 : i32
    %scan3A_248 = arith.addi %scan3A_246, %scan3A_247 : i32
    %scan3A_249 = arith.constant 1 : i32
    scf.for %scan3A_432 = %scan3A_246 to %scan3A_248 step %scan3A_249  : i32 {
      %mul3A_433 = arith.constant 1 : i32
      %mul3A_434 = arith.muli %scan3A_432, %mul3A_433 : i32
      %add3A_435 = arith.constant 0 : i32
      %add3A_436 = arith.addi %add3A_435, %mul3A_434 : i32
      %add3A_437 = arith.constant 128 : i32
      %add3A_438 = arith.addi %add3A_437, %add3A_436 : i32
      %get3A = arith.index_cast %add3A_436 : i32 to index
      %get3A_439 = arith.constant 0 : index
      %get3A_440 = tpu.vector_load %arg9[%get3A, %get3A_439] {strides = array<i32>} : memref<128x128xf32, #tpu.memory_space<vmem>>, vector<1x16xf32>,
      %get3A_441 = vector.shape_cast %get3A_440 : vector<1x16xf32> to vector<1x16xf32>
      %get3A_442 = arith.index_cast %add3A_438 : i32 to index
      %get3A_443 = arith.constant 0 : index
      %get3A_444 = tpu.vector_load %arg7[%get3A_442, %get3A_443] {strides = array<i32>} : memref<256x128xf32, #tpu.memory_space<vmem>>, vector<1x16xf32>,
      %get3A_445 = vector.shape_cast %get3A_444 : vector<1x16xf32> to vector<1x16xf32>
      %add3A_446 = arith.addf %get3A_441, %get3A_445 : vector<1x16xf32>
      %swap3A = arith.index_cast %add3A_436 : i32 to index
      %swap3A_447 = arith.constant 0 : index
      %swap3A_448 = tpu.vector_load %arg9[%swap3A, %swap3A_447] {strides = array<i32>} : memref<128x128xf32, #tpu.memory_space<vmem>>, vector<1x16xf32>,
      %swap3A_449 = vector.shape_cast %swap3A_448 : vector<1x16xf32> to vector<1x16xf32>
      %swap3A_450 = vector.shape_cast %add3A_446 : vector<1x16xf32> to vector<1x16xf32>
      tpu.vector_store %arg9[%swap3A, %swap3A_447], %swap3A_450 {strides = array<i32>} : memref<128x128xf32, #tpu.memory_space<vmem>>, vector<1x16xf32>,
      %add3A_451 = arith.constant 128 : i32
      %add3A_452 = arith.addi %add3A_451, %add3A_436 : i32
      %get3A_453 = arith.index_cast %add3A_436 : i32 to index
      %get3A_454 = arith.constant 16 : index
      %get3A_455 = tpu.vector_load %arg9[%get3A_453, %get3A_454] {strides = array<i32>} : memref<128x128xf32, #tpu.memory_space<vmem>>, vector<1x16xf32>,
      %get3A_456 = vector.shape_cast %get3A_455 : vector<1x16xf32> to vector<1x16xf32>
      %get3A_457 = arith.index_cast %add3A_452 : i32 to index
      %get3A_458 = arith.constant 16 : index
      %get3A_459 = tpu.vector_load %arg7[%get3A_457, %get3A_458] {strides = array<i32>} : memref<256x128xf32, #tpu.memory_space<vmem>>, vector<1x16xf32>,
      %get3A_460 = vector.shape_cast %get3A_459 : vector<1x16xf32> to vector<1x16xf32>
      %add3A_461 = arith.addf %get3A_456, %get3A_460 : vector<1x16xf32>
      %swap3A_462 = arith.index_cast %add3A_436 : i32 to index
      %swap3A_463 = arith.constant 16 : index
      %swap3A_464 = tpu.vector_load %arg9[%swap3A_462, %swap3A_463] {strides = array<i32>} : memref<128x128xf32, #tpu.memory_space<vmem>>, vector<1x16xf32>,
      %swap3A_465 = vector.shape_cast %swap3A_464 : vector<1x16xf32> to vector<1x16xf32>
      %swap3A_466 = vector.shape_cast %add3A_461 : vector<1x16xf32> to vector<1x16xf32>
      tpu.vector_store %arg9[%swap3A_462, %swap3A_463], %swap3A_466 {strides = array<i32>} : memref<128x128xf32, #tpu.memory_space<vmem>>, vector<1x16xf32>,
      %add3A_467 = arith.constant 128 : i32
      %add3A_468 = arith.addi %add3A_467, %add3A_436 : i32
      %get3A_469 = arith.index_cast %add3A_436 : i32 to index
      %get3A_470 = arith.constant 32 : index
      %get3A_471 = tpu.vector_load %arg9[%get3A_469, %get3A_470] {strides = array<i32>} : memref<128x128xf32, #tpu.memory_space<vmem>>, vector<1x16xf32>,
      %get3A_472 = vector.shape_cast %get3A_471 : vector<1x16xf32> to vector<1x16xf32>
      %get3A_473 = arith.index_cast %add3A_468 : i32 to index
      %get3A_474 = arith.constant 32 : index
      %get3A_475 = tpu.vector_load %arg7[%get3A_473, %get3A_474] {strides = array<i32>} : memref<256x128xf32, #tpu.memory_space<vmem>>, vector<1x16xf32>,
      %get3A_476 = vector.shape_cast %get3A_475 : vector<1x16xf32> to vector<1x16xf32>
      %add3A_477 = arith.addf %get3A_472, %get3A_476 : vector<1x16xf32>
      %swap3A_478 = arith.index_cast %add3A_436 : i32 to index
      %swap3A_479 = arith.constant 32 : index
      %swap3A_480 = tpu.vector_load %arg9[%swap3A_478, %swap3A_479] {strides = array<i32>} : memref<128x128xf32, #tpu.memory_space<vmem>>, vector<1x16xf32>,
      %swap3A_481 = vector.shape_cast %swap3A_480 : vector<1x16xf32> to vector<1x16xf32>
      %swap3A_482 = vector.shape_cast %add3A_477 : vector<1x16xf32> to vector<1x16xf32>
      tpu.vector_store %arg9[%swap3A_478, %swap3A_479], %swap3A_482 {strides = array<i32>} : memref<128x128xf32, #tpu.memory_space<vmem>>, vector<1x16xf32>,
      %add3A_483 = arith.constant 128 : i32
      %add3A_484 = arith.addi %add3A_483, %add3A_436 : i32
      %get3A_485 = arith.index_cast %add3A_436 : i32 to index
      %get3A_486 = arith.constant 48 : index
      %get3A_487 = tpu.vector_load %arg9[%get3A_485, %get3A_486] {strides = array<i32>} : memref<128x128xf32, #tpu.memory_space<vmem>>, vector<1x16xf32>,
      %get3A_488 = vector.shape_cast %get3A_487 : vector<1x16xf32> to vector<1x16xf32>
      %get3A_489 = arith.index_cast %add3A_484 : i32 to index
      %get3A_490 = arith.constant 48 : index
      %get3A_491 = tpu.vector_load %arg7[%get3A_489, %get3A_490] {strides = array<i32>} : memref<256x128xf32, #tpu.memory_space<vmem>>, vector<1x16xf32>,
      %get3A_492 = vector.shape_cast %get3A_491 : vector<1x16xf32> to vector<1x16xf32>
      %add3A_493 = arith.addf %get3A_488, %get3A_492 : vector<1x16xf32>
      %swap3A_494 = arith.index_cast %add3A_436 : i32 to index
      %swap3A_495 = arith.constant 48 : index
      %swap3A_496 = tpu.vector_load %arg9[%swap3A_494, %swap3A_495] {strides = array<i32>} : memref<128x128xf32, #tpu.memory_space<vmem>>, vector<1x16xf32>,
      %swap3A_497 = vector.shape_cast %swap3A_496 : vector<1x16xf32> to vector<1x16xf32>
      %swap3A_498 = vector.shape_cast %add3A_493 : vector<1x16xf32> to vector<1x16xf32>
      tpu.vector_store %arg9[%swap3A_494, %swap3A_495], %swap3A_498 {strides = array<i32>} : memref<128x128xf32, #tpu.memory_space<vmem>>, vector<1x16xf32>,
      %add3A_499 = arith.constant 128 : i32
      %add3A_500 = arith.addi %add3A_499, %add3A_436 : i32
      %get3A_501 = arith.index_cast %add3A_436 : i32 to index
      %get3A_502 = arith.constant 64 : index
      %get3A_503 = tpu.vector_load %arg9[%get3A_501, %get3A_502] {strides = array<i32>} : memref<128x128xf32, #tpu.memory_space<vmem>>, vector<1x16xf32>,
      %get3A_504 = vector.shape_cast %get3A_503 : vector<1x16xf32> to vector<1x16xf32>
      %get3A_505 = arith.index_cast %add3A_500 : i32 to index
      %get3A_506 = arith.constant 64 : index
      %get3A_507 = tpu.vector_load %arg7[%get3A_505, %get3A_506] {strides = array<i32>} : memref<256x128xf32, #tpu.memory_space<vmem>>, vector<1x16xf32>,
      %get3A_508 = vector.shape_cast %get3A_507 : vector<1x16xf32> to vector<1x16xf32>
      %add3A_509 = arith.addf %get3A_504, %get3A_508 : vector<1x16xf32>
      %swap3A_510 = arith.index_cast %add3A_436 : i32 to index
      %swap3A_511 = arith.constant 64 : index
      %swap3A_512 = tpu.vector_load %arg9[%swap3A_510, %swap3A_511] {strides = array<i32>} : memref<128x128xf32, #tpu.memory_space<vmem>>, vector<1x16xf32>,
      %swap3A_513 = vector.shape_cast %swap3A_512 : vector<1x16xf32> to vector<1x16xf32>
      %swap3A_514 = vector.shape_cast %add3A_509 : vector<1x16xf32> to vector<1x16xf32>
      tpu.vector_store %arg9[%swap3A_510, %swap3A_511], %swap3A_514 {strides = array<i32>} : memref<128x128xf32, #tpu.memory_space<vmem>>, vector<1x16xf32>,
      %add3A_515 = arith.constant 128 : i32
      %add3A_516 = arith.addi %add3A_515, %add3A_436 : i32
      %get3A_517 = arith.index_cast %add3A_436 : i32 to index
      %get3A_518 = arith.constant 80 : index
      %get3A_519 = tpu.vector_load %arg9[%get3A_517, %get3A_518] {strides = array<i32>} : memref<128x128xf32, #tpu.memory_space<vmem>>, vector<1x16xf32>,
      %get3A_520 = vector.shape_cast %get3A_519 : vector<1x16xf32> to vector<1x16xf32>
      %get3A_521 = arith.index_cast %add3A_516 : i32 to index
      %get3A_522 = arith.constant 80 : index
      %get3A_523 = tpu.vector_load %arg7[%get3A_521, %get3A_522] {strides = array<i32>} : memref<256x128xf32, #tpu.memory_space<vmem>>, vector<1x16xf32>,
      %get3A_524 = vector.shape_cast %get3A_523 : vector<1x16xf32> to vector<1x16xf32>
      %add3A_525 = arith.addf %get3A_520, %get3A_524 : vector<1x16xf32>
      %swap3A_526 = arith.index_cast %add3A_436 : i32 to index
      %swap3A_527 = arith.constant 80 : index
      %swap3A_528 = tpu.vector_load %arg9[%swap3A_526, %swap3A_527] {strides = array<i32>} : memref<128x128xf32, #tpu.memory_space<vmem>>, vector<1x16xf32>,
      %swap3A_529 = vector.shape_cast %swap3A_528 : vector<1x16xf32> to vector<1x16xf32>
      %swap3A_530 = vector.shape_cast %add3A_525 : vector<1x16xf32> to vector<1x16xf32>
      tpu.vector_store %arg9[%swap3A_526, %swap3A_527], %swap3A_530 {strides = array<i32>} : memref<128x128xf32, #tpu.memory_space<vmem>>, vector<1x16xf32>,
      %add3A_531 = arith.constant 128 : i32
      %add3A_532 = arith.addi %add3A_531, %add3A_436 : i32
      %get3A_533 = arith.index_cast %add3A_436 : i32 to index
      %get3A_534 = arith.constant 96 : index
      %get3A_535 = tpu.vector_load %arg9[%get3A_533, %get3A_534] {strides = array<i32>} : memref<128x128xf32, #tpu.memory_space<vmem>>, vector<1x16xf32>,
      %get3A_536 = vector.shape_cast %get3A_535 : vector<1x16xf32> to vector<1x16xf32>
      %get3A_537 = arith.index_cast %add3A_532 : i32 to index
      %get3A_538 = arith.constant 96 : index
      %get3A_539 = tpu.vector_load %arg7[%get3A_537, %get3A_538] {strides = array<i32>} : memref<256x128xf32, #tpu.memory_space<vmem>>, vector<1x16xf32>,
      %get3A_540 = vector.shape_cast %get3A_539 : vector<1x16xf32> to vector<1x16xf32>
      %add3A_541 = arith.addf %get3A_536, %get3A_540 : vector<1x16xf32>
      %swap3A_542 = arith.index_cast %add3A_436 : i32 to index
      %swap3A_543 = arith.constant 96 : index
      %swap3A_544 = tpu.vector_load %arg9[%swap3A_542, %swap3A_543] {strides = array<i32>} : memref<128x128xf32, #tpu.memory_space<vmem>>, vector<1x16xf32>,
      %swap3A_545 = vector.shape_cast %swap3A_544 : vector<1x16xf32> to vector<1x16xf32>
      %swap3A_546 = vector.shape_cast %add3A_541 : vector<1x16xf32> to vector<1x16xf32>
      tpu.vector_store %arg9[%swap3A_542, %swap3A_543], %swap3A_546 {strides = array<i32>} : memref<128x128xf32, #tpu.memory_space<vmem>>, vector<1x16xf32>,
      %add3A_547 = arith.constant 128 : i32
      %add3A_548 = arith.addi %add3A_547, %add3A_436 : i32
      %get3A_549 = arith.index_cast %add3A_436 : i32 to index
      %get3A_550 = arith.constant 112 : index
      %get3A_551 = tpu.vector_load %arg9[%get3A_549, %get3A_550] {strides = array<i32>} : memref<128x128xf32, #tpu.memory_space<vmem>>, vector<1x16xf32>,
      %get3A_552 = vector.shape_cast %get3A_551 : vector<1x16xf32> to vector<1x16xf32>
      %get3A_553 = arith.index_cast %add3A_548 : i32 to index
      %get3A_554 = arith.constant 112 : index
      %get3A_555 = tpu.vector_load %arg7[%get3A_553, %get3A_554] {strides = array<i32>} : memref<256x128xf32, #tpu.memory_space<vmem>>, vector<1x16xf32>,
      %get3A_556 = vector.shape_cast %get3A_555 : vector<1x16xf32> to vector<1x16xf32>
      %add3A_557 = arith.addf %get3A_552, %get3A_556 : vector<1x16xf32>
      %swap3A_558 = arith.index_cast %add3A_436 : i32 to index
      %swap3A_559 = arith.constant 112 : index
      %swap3A_560 = tpu.vector_load %arg9[%swap3A_558, %swap3A_559] {strides = array<i32>} : memref<128x128xf32, #tpu.memory_space<vmem>>, vector<1x16xf32>,
      %swap3A_561 = vector.shape_cast %swap3A_560 : vector<1x16xf32> to vector<1x16xf32>
      %swap3A_562 = vector.shape_cast %add3A_557 : vector<1x16xf32> to vector<1x16xf32>
      tpu.vector_store %arg9[%swap3A_558, %swap3A_559], %swap3A_562 {strides = array<i32>} : memref<128x128xf32, #tpu.memory_space<vmem>>, vector<1x16xf32>,
    }
    %scan3A_250 = arith.constant 128 : i32
    %add3A_251 = arith.constant 0 : i32
    %add3A_252 = arith.addi %add3A_251, %mul3A_2 : i32
    %add3A_253 = arith.constant 128 : i32
    %add3A_254 = arith.addi %add3A_252, %add3A_253 : i32
    %dma_start3A_255 = arith.constant 0 : i32
    %dma_start3A_256 = tpu.memref_slice %arg5[%add3A_254, %dma_start3A_255] : memref<32768x128xf32, #tpu.memory_space<hbm>> -> memref<128x128xf32, #tpu.memory_space<hbm>>
    %dma_start3A_257 = arith.constant 0 : i32
    %dma_start3A_258 = tpu.memref_slice %arg5[%add3A_254, %dma_start3A_257] : memref<32768x128xf32, #tpu.memory_space<hbm>> -> memref<128x128xf32, #tpu.memory_space<hbm>>
    tpu.enqueue_dma source(%arg9 : memref<128x128xf32, #tpu.memory_space<vmem>>) target(%dma_start3A_258 : memref<128x128xf32, #tpu.memory_space<hbm>>) target_semaphore(%arg19 : memref<!tpu.dma_semaphore, #tpu.memory_space<semaphore_mem>>)
    %dma_wait3A_259 = arith.constant 0 : i32
    %dma_wait3A_260 = tpu.memref_slice %arg5[%add3A_227, %dma_wait3A_259] : memref<32768x128xf32, #tpu.memory_space<hbm>> -> memref<128x128xf32, #tpu.memory_space<hbm>>
    %dma_wait3A_261 = arith.constant 0 : i32
    %dma_wait3A_262 = tpu.memref_slice %arg5[%add3A_227, %dma_wait3A_261] : memref<32768x128xf32, #tpu.memory_space<hbm>> -> memref<128x128xf32, #tpu.memory_space<hbm>>
    tpu.wait_dma2 semaphore(%arg18 : memref<!tpu.dma_semaphore, #tpu.memory_space<semaphore_mem>>) src(%arg8 : memref<128x128xf32, #tpu.memory_space<vmem>>) dst(%dma_wait3A_262 : memref<128x128xf32, #tpu.memory_space<hbm>>)
    %dma_start3A_263 = arith.constant 5 : i32
    %dma_start3A_264 = arith.constant 0 : i32
    %dma_start3A_265 = tpu.memref_slice %arg6[%dma_start3A_263, %dma_start3A_264] : memref<8x128xi32, #tpu.memory_space<vmem>> -> memref<1x128xi32, #tpu.memory_space<vmem>>
    %dma_start3A_266 = tpu.memref_squeeze %dma_start3A_265 : memref<1x128xi32, #tpu.memory_space<vmem>> -> memref<128xi32, #tpu.memory_space<vmem>>
    %dma_start3A_267 = arith.constant 0 : i32
    %dma_start3A_268 = arith.constant 0 : i32
    %dma_start3A_269 = tpu.memref_slice %arg2[%dma_start3A_267, %dma_start3A_268] : memref<100000x128xf32, #tpu.memory_space<hbm>> -> memref<100000x128xf32, #tpu.memory_space<hbm>>
    tpu.enqueue_indirect_dma source(%dma_start3A_269 : memref<100000x128xf32, #tpu.memory_space<hbm>>) target(%arg8 : memref<128x128xf32, #tpu.memory_space<vmem>>) offsets(%dma_start3A_266 : memref<128xi32, #tpu.memory_space<vmem>>) semaphore(%arg13 : memref<!tpu.dma_semaphore, #tpu.memory_space<semaphore_mem>>)
    %dma_wait3A_270 = arith.constant 2 : i32
    %dma_wait3A_271 = arith.constant 0 : i32
    %dma_wait3A_272 = tpu.memref_slice %arg6[%dma_wait3A_270, %dma_wait3A_271] : memref<8x128xi32, #tpu.memory_space<vmem>> -> memref<1x128xi32, #tpu.memory_space<vmem>>
    %dma_wait3A_273 = tpu.memref_squeeze %dma_wait3A_272 : memref<1x128xi32, #tpu.memory_space<vmem>> -> memref<128xi32, #tpu.memory_space<vmem>>
    %dma_wait3A_274 = arith.constant 0 : i32
    %dma_wait3A_275 = arith.constant 0 : i32
    %dma_wait3A_276 = tpu.memref_slice %arg2[%dma_wait3A_274, %dma_wait3A_275] : memref<100000x128xf32, #tpu.memory_space<hbm>> -> memref<100000x128xf32, #tpu.memory_space<hbm>>
    tpu.wait_indirect_dma semaphore(%arg15 : memref<!tpu.dma_semaphore, #tpu.memory_space<semaphore_mem>>) src(%dma_wait3A_276 : memref<100000x128xf32, #tpu.memory_space<hbm>>) dst(%arg10 : memref<128x128xf32, #tpu.memory_space<vmem>>)
    %scan3A_277 = arith.constant 0 : i32
    %scan3A_278 = arith.constant 128 : i32
    %scan3A_279 = arith.addi %scan3A_277, %scan3A_278 : i32
    %scan3A_280 = arith.constant 1 : i32
    scf.for %scan3A_432 = %scan3A_277 to %scan3A_279 step %scan3A_280  : i32 {
      %mul3A_433 = arith.constant 1 : i32
      %mul3A_434 = arith.muli %scan3A_432, %mul3A_433 : i32
      %add3A_435 = arith.constant 0 : i32
      %add3A_436 = arith.addi %add3A_435, %mul3A_434 : i32
      %add3A_437 = arith.constant 0 : i32
      %add3A_438 = arith.addi %add3A_437, %add3A_436 : i32
      %get3A = arith.index_cast %add3A_436 : i32 to index
      %get3A_439 = arith.constant 0 : index
      %get3A_440 = tpu.vector_load %arg10[%get3A, %get3A_439] {strides = array<i32>} : memref<128x128xf32, #tpu.memory_space<vmem>>, vector<1x16xf32>,
      %get3A_441 = vector.shape_cast %get3A_440 : vector<1x16xf32> to vector<1x16xf32>
      %get3A_442 = arith.index_cast %add3A_438 : i32 to index
      %get3A_443 = arith.constant 0 : index
      %get3A_444 = tpu.vector_load %arg7[%get3A_442, %get3A_443] {strides = array<i32>} : memref<256x128xf32, #tpu.memory_space<vmem>>, vector<1x16xf32>,
      %get3A_445 = vector.shape_cast %get3A_444 : vector<1x16xf32> to vector<1x16xf32>
      %add3A_446 = arith.addf %get3A_441, %get3A_445 : vector<1x16xf32>
      %swap3A = arith.index_cast %add3A_436 : i32 to index
      %swap3A_447 = arith.constant 0 : index
      %swap3A_448 = tpu.vector_load %arg10[%swap3A, %swap3A_447] {strides = array<i32>} : memref<128x128xf32, #tpu.memory_space<vmem>>, vector<1x16xf32>,
      %swap3A_449 = vector.shape_cast %swap3A_448 : vector<1x16xf32> to vector<1x16xf32>
      %swap3A_450 = vector.shape_cast %add3A_446 : vector<1x16xf32> to vector<1x16xf32>
      tpu.vector_store %arg10[%swap3A, %swap3A_447], %swap3A_450 {strides = array<i32>} : memref<128x128xf32, #tpu.memory_space<vmem>>, vector<1x16xf32>,
      %add3A_451 = arith.constant 0 : i32
      %add3A_452 = arith.addi %add3A_451, %add3A_436 : i32
      %get3A_453 = arith.index_cast %add3A_436 : i32 to index
      %get3A_454 = arith.constant 16 : index
      %get3A_455 = tpu.vector_load %arg10[%get3A_453, %get3A_454] {strides = array<i32>} : memref<128x128xf32, #tpu.memory_space<vmem>>, vector<1x16xf32>,
      %get3A_456 = vector.shape_cast %get3A_455 : vector<1x16xf32> to vector<1x16xf32>
      %get3A_457 = arith.index_cast %add3A_452 : i32 to index
      %get3A_458 = arith.constant 16 : index
      %get3A_459 = tpu.vector_load %arg7[%get3A_457, %get3A_458] {strides = array<i32>} : memref<256x128xf32, #tpu.memory_space<vmem>>, vector<1x16xf32>,
      %get3A_460 = vector.shape_cast %get3A_459 : vector<1x16xf32> to vector<1x16xf32>
      %add3A_461 = arith.addf %get3A_456, %get3A_460 : vector<1x16xf32>
      %swap3A_462 = arith.index_cast %add3A_436 : i32 to index
      %swap3A_463 = arith.constant 16 : index
      %swap3A_464 = tpu.vector_load %arg10[%swap3A_462, %swap3A_463] {strides = array<i32>} : memref<128x128xf32, #tpu.memory_space<vmem>>, vector<1x16xf32>,
      %swap3A_465 = vector.shape_cast %swap3A_464 : vector<1x16xf32> to vector<1x16xf32>
      %swap3A_466 = vector.shape_cast %add3A_461 : vector<1x16xf32> to vector<1x16xf32>
      tpu.vector_store %arg10[%swap3A_462, %swap3A_463], %swap3A_466 {strides = array<i32>} : memref<128x128xf32, #tpu.memory_space<vmem>>, vector<1x16xf32>,
      %add3A_467 = arith.constant 0 : i32
      %add3A_468 = arith.addi %add3A_467, %add3A_436 : i32
      %get3A_469 = arith.index_cast %add3A_436 : i32 to index
      %get3A_470 = arith.constant 32 : index
      %get3A_471 = tpu.vector_load %arg10[%get3A_469, %get3A_470] {strides = array<i32>} : memref<128x128xf32, #tpu.memory_space<vmem>>, vector<1x16xf32>,
      %get3A_472 = vector.shape_cast %get3A_471 : vector<1x16xf32> to vector<1x16xf32>
      %get3A_473 = arith.index_cast %add3A_468 : i32 to index
      %get3A_474 = arith.constant 32 : index
      %get3A_475 = tpu.vector_load %arg7[%get3A_473, %get3A_474] {strides = array<i32>} : memref<256x128xf32, #tpu.memory_space<vmem>>, vector<1x16xf32>,
      %get3A_476 = vector.shape_cast %get3A_475 : vector<1x16xf32> to vector<1x16xf32>
      %add3A_477 = arith.addf %get3A_472, %get3A_476 : vector<1x16xf32>
      %swap3A_478 = arith.index_cast %add3A_436 : i32 to index
      %swap3A_479 = arith.constant 32 : index
      %swap3A_480 = tpu.vector_load %arg10[%swap3A_478, %swap3A_479] {strides = array<i32>} : memref<128x128xf32, #tpu.memory_space<vmem>>, vector<1x16xf32>,
      %swap3A_481 = vector.shape_cast %swap3A_480 : vector<1x16xf32> to vector<1x16xf32>
      %swap3A_482 = vector.shape_cast %add3A_477 : vector<1x16xf32> to vector<1x16xf32>
      tpu.vector_store %arg10[%swap3A_478, %swap3A_479], %swap3A_482 {strides = array<i32>} : memref<128x128xf32, #tpu.memory_space<vmem>>, vector<1x16xf32>,
      %add3A_483 = arith.constant 0 : i32
      %add3A_484 = arith.addi %add3A_483, %add3A_436 : i32
      %get3A_485 = arith.index_cast %add3A_436 : i32 to index
      %get3A_486 = arith.constant 48 : index
      %get3A_487 = tpu.vector_load %arg10[%get3A_485, %get3A_486] {strides = array<i32>} : memref<128x128xf32, #tpu.memory_space<vmem>>, vector<1x16xf32>,
      %get3A_488 = vector.shape_cast %get3A_487 : vector<1x16xf32> to vector<1x16xf32>
      %get3A_489 = arith.index_cast %add3A_484 : i32 to index
      %get3A_490 = arith.constant 48 : index
      %get3A_491 = tpu.vector_load %arg7[%get3A_489, %get3A_490] {strides = array<i32>} : memref<256x128xf32, #tpu.memory_space<vmem>>, vector<1x16xf32>,
      %get3A_492 = vector.shape_cast %get3A_491 : vector<1x16xf32> to vector<1x16xf32>
      %add3A_493 = arith.addf %get3A_488, %get3A_492 : vector<1x16xf32>
      %swap3A_494 = arith.index_cast %add3A_436 : i32 to index
      %swap3A_495 = arith.constant 48 : index
      %swap3A_496 = tpu.vector_load %arg10[%swap3A_494, %swap3A_495] {strides = array<i32>} : memref<128x128xf32, #tpu.memory_space<vmem>>, vector<1x16xf32>,
      %swap3A_497 = vector.shape_cast %swap3A_496 : vector<1x16xf32> to vector<1x16xf32>
      %swap3A_498 = vector.shape_cast %add3A_493 : vector<1x16xf32> to vector<1x16xf32>
      tpu.vector_store %arg10[%swap3A_494, %swap3A_495], %swap3A_498 {strides = array<i32>} : memref<128x128xf32, #tpu.memory_space<vmem>>, vector<1x16xf32>,
      %add3A_499 = arith.constant 0 : i32
      %add3A_500 = arith.addi %add3A_499, %add3A_436 : i32
      %get3A_501 = arith.index_cast %add3A_436 : i32 to index
      %get3A_502 = arith.constant 64 : index
      %get3A_503 = tpu.vector_load %arg10[%get3A_501, %get3A_502] {strides = array<i32>} : memref<128x128xf32, #tpu.memory_space<vmem>>, vector<1x16xf32>,
      %get3A_504 = vector.shape_cast %get3A_503 : vector<1x16xf32> to vector<1x16xf32>
      %get3A_505 = arith.index_cast %add3A_500 : i32 to index
      %get3A_506 = arith.constant 64 : index
      %get3A_507 = tpu.vector_load %arg7[%get3A_505, %get3A_506] {strides = array<i32>} : memref<256x128xf32, #tpu.memory_space<vmem>>, vector<1x16xf32>,
      %get3A_508 = vector.shape_cast %get3A_507 : vector<1x16xf32> to vector<1x16xf32>
      %add3A_509 = arith.addf %get3A_504, %get3A_508 : vector<1x16xf32>
      %swap3A_510 = arith.index_cast %add3A_436 : i32 to index
      %swap3A_511 = arith.constant 64 : index
      %swap3A_512 = tpu.vector_load %arg10[%swap3A_510, %swap3A_511] {strides = array<i32>} : memref<128x128xf32, #tpu.memory_space<vmem>>, vector<1x16xf32>,
      %swap3A_513 = vector.shape_cast %swap3A_512 : vector<1x16xf32> to vector<1x16xf32>
      %swap3A_514 = vector.shape_cast %add3A_509 : vector<1x16xf32> to vector<1x16xf32>
      tpu.vector_store %arg10[%swap3A_510, %swap3A_511], %swap3A_514 {strides = array<i32>} : memref<128x128xf32, #tpu.memory_space<vmem>>, vector<1x16xf32>,
      %add3A_515 = arith.constant 0 : i32
      %add3A_516 = arith.addi %add3A_515, %add3A_436 : i32
      %get3A_517 = arith.index_cast %add3A_436 : i32 to index
      %get3A_518 = arith.constant 80 : index
      %get3A_519 = tpu.vector_load %arg10[%get3A_517, %get3A_518] {strides = array<i32>} : memref<128x128xf32, #tpu.memory_space<vmem>>, vector<1x16xf32>,
      %get3A_520 = vector.shape_cast %get3A_519 : vector<1x16xf32> to vector<1x16xf32>
      %get3A_521 = arith.index_cast %add3A_516 : i32 to index
      %get3A_522 = arith.constant 80 : index
      %get3A_523 = tpu.vector_load %arg7[%get3A_521, %get3A_522] {strides = array<i32>} : memref<256x128xf32, #tpu.memory_space<vmem>>, vector<1x16xf32>,
      %get3A_524 = vector.shape_cast %get3A_523 : vector<1x16xf32> to vector<1x16xf32>
      %add3A_525 = arith.addf %get3A_520, %get3A_524 : vector<1x16xf32>
      %swap3A_526 = arith.index_cast %add3A_436 : i32 to index
      %swap3A_527 = arith.constant 80 : index
      %swap3A_528 = tpu.vector_load %arg10[%swap3A_526, %swap3A_527] {strides = array<i32>} : memref<128x128xf32, #tpu.memory_space<vmem>>, vector<1x16xf32>,
      %swap3A_529 = vector.shape_cast %swap3A_528 : vector<1x16xf32> to vector<1x16xf32>
      %swap3A_530 = vector.shape_cast %add3A_525 : vector<1x16xf32> to vector<1x16xf32>
      tpu.vector_store %arg10[%swap3A_526, %swap3A_527], %swap3A_530 {strides = array<i32>} : memref<128x128xf32, #tpu.memory_space<vmem>>, vector<1x16xf32>,
      %add3A_531 = arith.constant 0 : i32
      %add3A_532 = arith.addi %add3A_531, %add3A_436 : i32
      %get3A_533 = arith.index_cast %add3A_436 : i32 to index
      %get3A_534 = arith.constant 96 : index
      %get3A_535 = tpu.vector_load %arg10[%get3A_533, %get3A_534] {strides = array<i32>} : memref<128x128xf32, #tpu.memory_space<vmem>>, vector<1x16xf32>,
      %get3A_536 = vector.shape_cast %get3A_535 : vector<1x16xf32> to vector<1x16xf32>
      %get3A_537 = arith.index_cast %add3A_532 : i32 to index
      %get3A_538 = arith.constant 96 : index
      %get3A_539 = tpu.vector_load %arg7[%get3A_537, %get3A_538] {strides = array<i32>} : memref<256x128xf32, #tpu.memory_space<vmem>>, vector<1x16xf32>,
      %get3A_540 = vector.shape_cast %get3A_539 : vector<1x16xf32> to vector<1x16xf32>
      %add3A_541 = arith.addf %get3A_536, %get3A_540 : vector<1x16xf32>
      %swap3A_542 = arith.index_cast %add3A_436 : i32 to index
      %swap3A_543 = arith.constant 96 : index
      %swap3A_544 = tpu.vector_load %arg10[%swap3A_542, %swap3A_543] {strides = array<i32>} : memref<128x128xf32, #tpu.memory_space<vmem>>, vector<1x16xf32>,
      %swap3A_545 = vector.shape_cast %swap3A_544 : vector<1x16xf32> to vector<1x16xf32>
      %swap3A_546 = vector.shape_cast %add3A_541 : vector<1x16xf32> to vector<1x16xf32>
      tpu.vector_store %arg10[%swap3A_542, %swap3A_543], %swap3A_546 {strides = array<i32>} : memref<128x128xf32, #tpu.memory_space<vmem>>, vector<1x16xf32>,
      %add3A_547 = arith.constant 0 : i32
      %add3A_548 = arith.addi %add3A_547, %add3A_436 : i32
      %get3A_549 = arith.index_cast %add3A_436 : i32 to index
      %get3A_550 = arith.constant 112 : index
      %get3A_551 = tpu.vector_load %arg10[%get3A_549, %get3A_550] {strides = array<i32>} : memref<128x128xf32, #tpu.memory_space<vmem>>, vector<1x16xf32>,
      %get3A_552 = vector.shape_cast %get3A_551 : vector<1x16xf32> to vector<1x16xf32>
      %get3A_553 = arith.index_cast %add3A_548 : i32 to index
      %get3A_554 = arith.constant 112 : index
      %get3A_555 = tpu.vector_load %arg7[%get3A_553, %get3A_554] {strides = array<i32>} : memref<256x128xf32, #tpu.memory_space<vmem>>, vector<1x16xf32>,
      %get3A_556 = vector.shape_cast %get3A_555 : vector<1x16xf32> to vector<1x16xf32>
      %add3A_557 = arith.addf %get3A_552, %get3A_556 : vector<1x16xf32>
      %swap3A_558 = arith.index_cast %add3A_436 : i32 to index
      %swap3A_559 = arith.constant 112 : index
      %swap3A_560 = tpu.vector_load %arg10[%swap3A_558, %swap3A_559] {strides = array<i32>} : memref<128x128xf32, #tpu.memory_space<vmem>>, vector<1x16xf32>,
      %swap3A_561 = vector.shape_cast %swap3A_560 : vector<1x16xf32> to vector<1x16xf32>
      %swap3A_562 = vector.shape_cast %add3A_557 : vector<1x16xf32> to vector<1x16xf32>
      tpu.vector_store %arg10[%swap3A_558, %swap3A_559], %swap3A_562 {strides = array<i32>} : memref<128x128xf32, #tpu.memory_space<vmem>>, vector<1x16xf32>,
    }
    %scan3A_281 = arith.constant 128 : i32
    %add3A_282 = arith.constant 8192 : i32
    %add3A_283 = arith.addi %add3A_282, %mul3A_2 : i32
    %add3A_284 = arith.constant 0 : i32
    %add3A_285 = arith.addi %add3A_283, %add3A_284 : i32
    %dma_start3A_286 = arith.constant 0 : i32
    %dma_start3A_287 = tpu.memref_slice %arg5[%add3A_285, %dma_start3A_286] : memref<32768x128xf32, #tpu.memory_space<hbm>> -> memref<128x128xf32, #tpu.memory_space<hbm>>
    %dma_start3A_288 = arith.constant 0 : i32
    %dma_start3A_289 = tpu.memref_slice %arg5[%add3A_285, %dma_start3A_288] : memref<32768x128xf32, #tpu.memory_space<hbm>> -> memref<128x128xf32, #tpu.memory_space<hbm>>
    tpu.enqueue_dma source(%arg10 : memref<128x128xf32, #tpu.memory_space<vmem>>) target(%dma_start3A_289 : memref<128x128xf32, #tpu.memory_space<hbm>>) target_semaphore(%arg20 : memref<!tpu.dma_semaphore, #tpu.memory_space<semaphore_mem>>)
    %dma_wait3A_290 = arith.constant 0 : i32
    %dma_wait3A_291 = tpu.memref_slice %arg5[%add3A_254, %dma_wait3A_290] : memref<32768x128xf32, #tpu.memory_space<hbm>> -> memref<128x128xf32, #tpu.memory_space<hbm>>
    %dma_wait3A_292 = arith.constant 0 : i32
    %dma_wait3A_293 = tpu.memref_slice %arg5[%add3A_254, %dma_wait3A_292] : memref<32768x128xf32, #tpu.memory_space<hbm>> -> memref<128x128xf32, #tpu.memory_space<hbm>>
    tpu.wait_dma2 semaphore(%arg19 : memref<!tpu.dma_semaphore, #tpu.memory_space<semaphore_mem>>) src(%arg9 : memref<128x128xf32, #tpu.memory_space<vmem>>) dst(%dma_wait3A_293 : memref<128x128xf32, #tpu.memory_space<hbm>>)
    %dma_start3A_294 = arith.constant 6 : i32
    %dma_start3A_295 = arith.constant 0 : i32
    %dma_start3A_296 = tpu.memref_slice %arg6[%dma_start3A_294, %dma_start3A_295] : memref<8x128xi32, #tpu.memory_space<vmem>> -> memref<1x128xi32, #tpu.memory_space<vmem>>
    %dma_start3A_297 = tpu.memref_squeeze %dma_start3A_296 : memref<1x128xi32, #tpu.memory_space<vmem>> -> memref<128xi32, #tpu.memory_space<vmem>>
    %dma_start3A_298 = arith.constant 0 : i32
    %dma_start3A_299 = arith.constant 0 : i32
    %dma_start3A_300 = tpu.memref_slice %arg2[%dma_start3A_298, %dma_start3A_299] : memref<100000x128xf32, #tpu.memory_space<hbm>> -> memref<100000x128xf32, #tpu.memory_space<hbm>>
    tpu.enqueue_indirect_dma source(%dma_start3A_300 : memref<100000x128xf32, #tpu.memory_space<hbm>>) target(%arg9 : memref<128x128xf32, #tpu.memory_space<vmem>>) offsets(%dma_start3A_297 : memref<128xi32, #tpu.memory_space<vmem>>) semaphore(%arg14 : memref<!tpu.dma_semaphore, #tpu.memory_space<semaphore_mem>>)
    %dma_wait3A_301 = arith.constant 3 : i32
    %dma_wait3A_302 = arith.constant 0 : i32
    %dma_wait3A_303 = tpu.memref_slice %arg6[%dma_wait3A_301, %dma_wait3A_302] : memref<8x128xi32, #tpu.memory_space<vmem>> -> memref<1x128xi32, #tpu.memory_space<vmem>>
    %dma_wait3A_304 = tpu.memref_squeeze %dma_wait3A_303 : memref<1x128xi32, #tpu.memory_space<vmem>> -> memref<128xi32, #tpu.memory_space<vmem>>
    %dma_wait3A_305 = arith.constant 0 : i32
    %dma_wait3A_306 = arith.constant 0 : i32
    %dma_wait3A_307 = tpu.memref_slice %arg2[%dma_wait3A_305, %dma_wait3A_306] : memref<100000x128xf32, #tpu.memory_space<hbm>> -> memref<100000x128xf32, #tpu.memory_space<hbm>>
    tpu.wait_indirect_dma semaphore(%arg16 : memref<!tpu.dma_semaphore, #tpu.memory_space<semaphore_mem>>) src(%dma_wait3A_307 : memref<100000x128xf32, #tpu.memory_space<hbm>>) dst(%arg11 : memref<128x128xf32, #tpu.memory_space<vmem>>)
    %scan3A_308 = arith.constant 0 : i32
    %scan3A_309 = arith.constant 128 : i32
    %scan3A_310 = arith.addi %scan3A_308, %scan3A_309 : i32
    %scan3A_311 = arith.constant 1 : i32
    scf.for %scan3A_432 = %scan3A_308 to %scan3A_310 step %scan3A_311  : i32 {
      %mul3A_433 = arith.constant 1 : i32
      %mul3A_434 = arith.muli %scan3A_432, %mul3A_433 : i32
      %add3A_435 = arith.constant 0 : i32
      %add3A_436 = arith.addi %add3A_435, %mul3A_434 : i32
      %add3A_437 = arith.constant 128 : i32
      %add3A_438 = arith.addi %add3A_437, %add3A_436 : i32
      %get3A = arith.index_cast %add3A_436 : i32 to index
      %get3A_439 = arith.constant 0 : index
      %get3A_440 = tpu.vector_load %arg11[%get3A, %get3A_439] {strides = array<i32>} : memref<128x128xf32, #tpu.memory_space<vmem>>, vector<1x16xf32>,
      %get3A_441 = vector.shape_cast %get3A_440 : vector<1x16xf32> to vector<1x16xf32>
      %get3A_442 = arith.index_cast %add3A_438 : i32 to index
      %get3A_443 = arith.constant 0 : index
      %get3A_444 = tpu.vector_load %arg7[%get3A_442, %get3A_443] {strides = array<i32>} : memref<256x128xf32, #tpu.memory_space<vmem>>, vector<1x16xf32>,
      %get3A_445 = vector.shape_cast %get3A_444 : vector<1x16xf32> to vector<1x16xf32>
      %add3A_446 = arith.addf %get3A_441, %get3A_445 : vector<1x16xf32>
      %swap3A = arith.index_cast %add3A_436 : i32 to index
      %swap3A_447 = arith.constant 0 : index
      %swap3A_448 = tpu.vector_load %arg11[%swap3A, %swap3A_447] {strides = array<i32>} : memref<128x128xf32, #tpu.memory_space<vmem>>, vector<1x16xf32>,
      %swap3A_449 = vector.shape_cast %swap3A_448 : vector<1x16xf32> to vector<1x16xf32>
      %swap3A_450 = vector.shape_cast %add3A_446 : vector<1x16xf32> to vector<1x16xf32>
      tpu.vector_store %arg11[%swap3A, %swap3A_447], %swap3A_450 {strides = array<i32>} : memref<128x128xf32, #tpu.memory_space<vmem>>, vector<1x16xf32>,
      %add3A_451 = arith.constant 128 : i32
      %add3A_452 = arith.addi %add3A_451, %add3A_436 : i32
      %get3A_453 = arith.index_cast %add3A_436 : i32 to index
      %get3A_454 = arith.constant 16 : index
      %get3A_455 = tpu.vector_load %arg11[%get3A_453, %get3A_454] {strides = array<i32>} : memref<128x128xf32, #tpu.memory_space<vmem>>, vector<1x16xf32>,
      %get3A_456 = vector.shape_cast %get3A_455 : vector<1x16xf32> to vector<1x16xf32>
      %get3A_457 = arith.index_cast %add3A_452 : i32 to index
      %get3A_458 = arith.constant 16 : index
      %get3A_459 = tpu.vector_load %arg7[%get3A_457, %get3A_458] {strides = array<i32>} : memref<256x128xf32, #tpu.memory_space<vmem>>, vector<1x16xf32>,
      %get3A_460 = vector.shape_cast %get3A_459 : vector<1x16xf32> to vector<1x16xf32>
      %add3A_461 = arith.addf %get3A_456, %get3A_460 : vector<1x16xf32>
      %swap3A_462 = arith.index_cast %add3A_436 : i32 to index
      %swap3A_463 = arith.constant 16 : index
      %swap3A_464 = tpu.vector_load %arg11[%swap3A_462, %swap3A_463] {strides = array<i32>} : memref<128x128xf32, #tpu.memory_space<vmem>>, vector<1x16xf32>,
      %swap3A_465 = vector.shape_cast %swap3A_464 : vector<1x16xf32> to vector<1x16xf32>
      %swap3A_466 = vector.shape_cast %add3A_461 : vector<1x16xf32> to vector<1x16xf32>
      tpu.vector_store %arg11[%swap3A_462, %swap3A_463], %swap3A_466 {strides = array<i32>} : memref<128x128xf32, #tpu.memory_space<vmem>>, vector<1x16xf32>,
      %add3A_467 = arith.constant 128 : i32
      %add3A_468 = arith.addi %add3A_467, %add3A_436 : i32
      %get3A_469 = arith.index_cast %add3A_436 : i32 to index
      %get3A_470 = arith.constant 32 : index
      %get3A_471 = tpu.vector_load %arg11[%get3A_469, %get3A_470] {strides = array<i32>} : memref<128x128xf32, #tpu.memory_space<vmem>>, vector<1x16xf32>,
      %get3A_472 = vector.shape_cast %get3A_471 : vector<1x16xf32> to vector<1x16xf32>
      %get3A_473 = arith.index_cast %add3A_468 : i32 to index
      %get3A_474 = arith.constant 32 : index
      %get3A_475 = tpu.vector_load %arg7[%get3A_473, %get3A_474] {strides = array<i32>} : memref<256x128xf32, #tpu.memory_space<vmem>>, vector<1x16xf32>,
      %get3A_476 = vector.shape_cast %get3A_475 : vector<1x16xf32> to vector<1x16xf32>
      %add3A_477 = arith.addf %get3A_472, %get3A_476 : vector<1x16xf32>
      %swap3A_478 = arith.index_cast %add3A_436 : i32 to index
      %swap3A_479 = arith.constant 32 : index
      %swap3A_480 = tpu.vector_load %arg11[%swap3A_478, %swap3A_479] {strides = array<i32>} : memref<128x128xf32, #tpu.memory_space<vmem>>, vector<1x16xf32>,
      %swap3A_481 = vector.shape_cast %swap3A_480 : vector<1x16xf32> to vector<1x16xf32>
      %swap3A_482 = vector.shape_cast %add3A_477 : vector<1x16xf32> to vector<1x16xf32>
      tpu.vector_store %arg11[%swap3A_478, %swap3A_479], %swap3A_482 {strides = array<i32>} : memref<128x128xf32, #tpu.memory_space<vmem>>, vector<1x16xf32>,
      %add3A_483 = arith.constant 128 : i32
      %add3A_484 = arith.addi %add3A_483, %add3A_436 : i32
      %get3A_485 = arith.index_cast %add3A_436 : i32 to index
      %get3A_486 = arith.constant 48 : index
      %get3A_487 = tpu.vector_load %arg11[%get3A_485, %get3A_486] {strides = array<i32>} : memref<128x128xf32, #tpu.memory_space<vmem>>, vector<1x16xf32>,
      %get3A_488 = vector.shape_cast %get3A_487 : vector<1x16xf32> to vector<1x16xf32>
      %get3A_489 = arith.index_cast %add3A_484 : i32 to index
      %get3A_490 = arith.constant 48 : index
      %get3A_491 = tpu.vector_load %arg7[%get3A_489, %get3A_490] {strides = array<i32>} : memref<256x128xf32, #tpu.memory_space<vmem>>, vector<1x16xf32>,
      %get3A_492 = vector.shape_cast %get3A_491 : vector<1x16xf32> to vector<1x16xf32>
      %add3A_493 = arith.addf %get3A_488, %get3A_492 : vector<1x16xf32>
      %swap3A_494 = arith.index_cast %add3A_436 : i32 to index
      %swap3A_495 = arith.constant 48 : index
      %swap3A_496 = tpu.vector_load %arg11[%swap3A_494, %swap3A_495] {strides = array<i32>} : memref<128x128xf32, #tpu.memory_space<vmem>>, vector<1x16xf32>,
      %swap3A_497 = vector.shape_cast %swap3A_496 : vector<1x16xf32> to vector<1x16xf32>
      %swap3A_498 = vector.shape_cast %add3A_493 : vector<1x16xf32> to vector<1x16xf32>
      tpu.vector_store %arg11[%swap3A_494, %swap3A_495], %swap3A_498 {strides = array<i32>} : memref<128x128xf32, #tpu.memory_space<vmem>>, vector<1x16xf32>,
      %add3A_499 = arith.constant 128 : i32
      %add3A_500 = arith.addi %add3A_499, %add3A_436 : i32
      %get3A_501 = arith.index_cast %add3A_436 : i32 to index
      %get3A_502 = arith.constant 64 : index
      %get3A_503 = tpu.vector_load %arg11[%get3A_501, %get3A_502] {strides = array<i32>} : memref<128x128xf32, #tpu.memory_space<vmem>>, vector<1x16xf32>,
      %get3A_504 = vector.shape_cast %get3A_503 : vector<1x16xf32> to vector<1x16xf32>
      %get3A_505 = arith.index_cast %add3A_500 : i32 to index
      %get3A_506 = arith.constant 64 : index
      %get3A_507 = tpu.vector_load %arg7[%get3A_505, %get3A_506] {strides = array<i32>} : memref<256x128xf32, #tpu.memory_space<vmem>>, vector<1x16xf32>,
      %get3A_508 = vector.shape_cast %get3A_507 : vector<1x16xf32> to vector<1x16xf32>
      %add3A_509 = arith.addf %get3A_504, %get3A_508 : vector<1x16xf32>
      %swap3A_510 = arith.index_cast %add3A_436 : i32 to index
      %swap3A_511 = arith.constant 64 : index
      %swap3A_512 = tpu.vector_load %arg11[%swap3A_510, %swap3A_511] {strides = array<i32>} : memref<128x128xf32, #tpu.memory_space<vmem>>, vector<1x16xf32>,
      %swap3A_513 = vector.shape_cast %swap3A_512 : vector<1x16xf32> to vector<1x16xf32>
      %swap3A_514 = vector.shape_cast %add3A_509 : vector<1x16xf32> to vector<1x16xf32>
      tpu.vector_store %arg11[%swap3A_510, %swap3A_511], %swap3A_514 {strides = array<i32>} : memref<128x128xf32, #tpu.memory_space<vmem>>, vector<1x16xf32>,
      %add3A_515 = arith.constant 128 : i32
      %add3A_516 = arith.addi %add3A_515, %add3A_436 : i32
      %get3A_517 = arith.index_cast %add3A_436 : i32 to index
      %get3A_518 = arith.constant 80 : index
      %get3A_519 = tpu.vector_load %arg11[%get3A_517, %get3A_518] {strides = array<i32>} : memref<128x128xf32, #tpu.memory_space<vmem>>, vector<1x16xf32>,
      %get3A_520 = vector.shape_cast %get3A_519 : vector<1x16xf32> to vector<1x16xf32>
      %get3A_521 = arith.index_cast %add3A_516 : i32 to index
      %get3A_522 = arith.constant 80 : index
      %get3A_523 = tpu.vector_load %arg7[%get3A_521, %get3A_522] {strides = array<i32>} : memref<256x128xf32, #tpu.memory_space<vmem>>, vector<1x16xf32>,
      %get3A_524 = vector.shape_cast %get3A_523 : vector<1x16xf32> to vector<1x16xf32>
      %add3A_525 = arith.addf %get3A_520, %get3A_524 : vector<1x16xf32>
      %swap3A_526 = arith.index_cast %add3A_436 : i32 to index
      %swap3A_527 = arith.constant 80 : index
      %swap3A_528 = tpu.vector_load %arg11[%swap3A_526, %swap3A_527] {strides = array<i32>} : memref<128x128xf32, #tpu.memory_space<vmem>>, vector<1x16xf32>,
      %swap3A_529 = vector.shape_cast %swap3A_528 : vector<1x16xf32> to vector<1x16xf32>
      %swap3A_530 = vector.shape_cast %add3A_525 : vector<1x16xf32> to vector<1x16xf32>
      tpu.vector_store %arg11[%swap3A_526, %swap3A_527], %swap3A_530 {strides = array<i32>} : memref<128x128xf32, #tpu.memory_space<vmem>>, vector<1x16xf32>,
      %add3A_531 = arith.constant 128 : i32
      %add3A_532 = arith.addi %add3A_531, %add3A_436 : i32
      %get3A_533 = arith.index_cast %add3A_436 : i32 to index
      %get3A_534 = arith.constant 96 : index
      %get3A_535 = tpu.vector_load %arg11[%get3A_533, %get3A_534] {strides = array<i32>} : memref<128x128xf32, #tpu.memory_space<vmem>>, vector<1x16xf32>,
      %get3A_536 = vector.shape_cast %get3A_535 : vector<1x16xf32> to vector<1x16xf32>
      %get3A_537 = arith.index_cast %add3A_532 : i32 to index
      %get3A_538 = arith.constant 96 : index
      %get3A_539 = tpu.vector_load %arg7[%get3A_537, %get3A_538] {strides = array<i32>} : memref<256x128xf32, #tpu.memory_space<vmem>>, vector<1x16xf32>,
      %get3A_540 = vector.shape_cast %get3A_539 : vector<1x16xf32> to vector<1x16xf32>
      %add3A_541 = arith.addf %get3A_536, %get3A_540 : vector<1x16xf32>
      %swap3A_542 = arith.index_cast %add3A_436 : i32 to index
      %swap3A_543 = arith.constant 96 : index
      %swap3A_544 = tpu.vector_load %arg11[%swap3A_542, %swap3A_543] {strides = array<i32>} : memref<128x128xf32, #tpu.memory_space<vmem>>, vector<1x16xf32>,
      %swap3A_545 = vector.shape_cast %swap3A_544 : vector<1x16xf32> to vector<1x16xf32>
      %swap3A_546 = vector.shape_cast %add3A_541 : vector<1x16xf32> to vector<1x16xf32>
      tpu.vector_store %arg11[%swap3A_542, %swap3A_543], %swap3A_546 {strides = array<i32>} : memref<128x128xf32, #tpu.memory_space<vmem>>, vector<1x16xf32>,
      %add3A_547 = arith.constant 128 : i32
      %add3A_548 = arith.addi %add3A_547, %add3A_436 : i32
      %get3A_549 = arith.index_cast %add3A_436 : i32 to index
      %get3A_550 = arith.constant 112 : index
      %get3A_551 = tpu.vector_load %arg11[%get3A_549, %get3A_550] {strides = array<i32>} : memref<128x128xf32, #tpu.memory_space<vmem>>, vector<1x16xf32>,
      %get3A_552 = vector.shape_cast %get3A_551 : vector<1x16xf32> to vector<1x16xf32>
      %get3A_553 = arith.index_cast %add3A_548 : i32 to index
      %get3A_554 = arith.constant 112 : index
      %get3A_555 = tpu.vector_load %arg7[%get3A_553, %get3A_554] {strides = array<i32>} : memref<256x128xf32, #tpu.memory_space<vmem>>, vector<1x16xf32>,
      %get3A_556 = vector.shape_cast %get3A_555 : vector<1x16xf32> to vector<1x16xf32>
      %add3A_557 = arith.addf %get3A_552, %get3A_556 : vector<1x16xf32>
      %swap3A_558 = arith.index_cast %add3A_436 : i32 to index
      %swap3A_559 = arith.constant 112 : index
      %swap3A_560 = tpu.vector_load %arg11[%swap3A_558, %swap3A_559] {strides = array<i32>} : memref<128x128xf32, #tpu.memory_space<vmem>>, vector<1x16xf32>,
      %swap3A_561 = vector.shape_cast %swap3A_560 : vector<1x16xf32> to vector<1x16xf32>
      %swap3A_562 = vector.shape_cast %add3A_557 : vector<1x16xf32> to vector<1x16xf32>
      tpu.vector_store %arg11[%swap3A_558, %swap3A_559], %swap3A_562 {strides = array<i32>} : memref<128x128xf32, #tpu.memory_space<vmem>>, vector<1x16xf32>,
    }
    %scan3A_312 = arith.constant 128 : i32
    %add3A_313 = arith.constant 8192 : i32
    %add3A_314 = arith.addi %add3A_313, %mul3A_2 : i32
    %add3A_315 = arith.constant 128 : i32
    %add3A_316 = arith.addi %add3A_314, %add3A_315 : i32
    %dma_start3A_317 = arith.constant 0 : i32
    %dma_start3A_318 = tpu.memref_slice %arg5[%add3A_316, %dma_start3A_317] : memref<32768x128xf32, #tpu.memory_space<hbm>> -> memref<128x128xf32, #tpu.memory_space<hbm>>
    %dma_start3A_319 = arith.constant 0 : i32
    %dma_start3A_320 = tpu.memref_slice %arg5[%add3A_316, %dma_start3A_319] : memref<32768x128xf32, #tpu.memory_space<hbm>> -> memref<128x128xf32, #tpu.memory_space<hbm>>
    tpu.enqueue_dma source(%arg11 : memref<128x128xf32, #tpu.memory_space<vmem>>) target(%dma_start3A_320 : memref<128x128xf32, #tpu.memory_space<hbm>>) target_semaphore(%arg21 : memref<!tpu.dma_semaphore, #tpu.memory_space<semaphore_mem>>)
    %dma_wait3A_321 = arith.constant 0 : i32
    %dma_wait3A_322 = tpu.memref_slice %arg5[%add3A_285, %dma_wait3A_321] : memref<32768x128xf32, #tpu.memory_space<hbm>> -> memref<128x128xf32, #tpu.memory_space<hbm>>
    %dma_wait3A_323 = arith.constant 0 : i32
    %dma_wait3A_324 = tpu.memref_slice %arg5[%add3A_285, %dma_wait3A_323] : memref<32768x128xf32, #tpu.memory_space<hbm>> -> memref<128x128xf32, #tpu.memory_space<hbm>>
    tpu.wait_dma2 semaphore(%arg20 : memref<!tpu.dma_semaphore, #tpu.memory_space<semaphore_mem>>) src(%arg10 : memref<128x128xf32, #tpu.memory_space<vmem>>) dst(%dma_wait3A_324 : memref<128x128xf32, #tpu.memory_space<hbm>>)
    %dma_start3A_325 = arith.constant 7 : i32
    %dma_start3A_326 = arith.constant 0 : i32
    %dma_start3A_327 = tpu.memref_slice %arg6[%dma_start3A_325, %dma_start3A_326] : memref<8x128xi32, #tpu.memory_space<vmem>> -> memref<1x128xi32, #tpu.memory_space<vmem>>
    %dma_start3A_328 = tpu.memref_squeeze %dma_start3A_327 : memref<1x128xi32, #tpu.memory_space<vmem>> -> memref<128xi32, #tpu.memory_space<vmem>>
    %dma_start3A_329 = arith.constant 0 : i32
    %dma_start3A_330 = arith.constant 0 : i32
    %dma_start3A_331 = tpu.memref_slice %arg2[%dma_start3A_329, %dma_start3A_330] : memref<100000x128xf32, #tpu.memory_space<hbm>> -> memref<100000x128xf32, #tpu.memory_space<hbm>>
    tpu.enqueue_indirect_dma source(%dma_start3A_331 : memref<100000x128xf32, #tpu.memory_space<hbm>>) target(%arg10 : memref<128x128xf32, #tpu.memory_space<vmem>>) offsets(%dma_start3A_328 : memref<128xi32, #tpu.memory_space<vmem>>) semaphore(%arg15 : memref<!tpu.dma_semaphore, #tpu.memory_space<semaphore_mem>>)
    %dma_wait3A_332 = arith.constant 4 : i32
    %dma_wait3A_333 = arith.constant 0 : i32
    %dma_wait3A_334 = tpu.memref_slice %arg6[%dma_wait3A_332, %dma_wait3A_333] : memref<8x128xi32, #tpu.memory_space<vmem>> -> memref<1x128xi32, #tpu.memory_space<vmem>>
    %dma_wait3A_335 = tpu.memref_squeeze %dma_wait3A_334 : memref<1x128xi32, #tpu.memory_space<vmem>> -> memref<128xi32, #tpu.memory_space<vmem>>
    %dma_wait3A_336 = arith.constant 0 : i32
    %dma_wait3A_337 = arith.constant 0 : i32
    %dma_wait3A_338 = tpu.memref_slice %arg2[%dma_wait3A_336, %dma_wait3A_337] : memref<100000x128xf32, #tpu.memory_space<hbm>> -> memref<100000x128xf32, #tpu.memory_space<hbm>>
    tpu.wait_indirect_dma semaphore(%arg17 : memref<!tpu.dma_semaphore, #tpu.memory_space<semaphore_mem>>) src(%dma_wait3A_338 : memref<100000x128xf32, #tpu.memory_space<hbm>>) dst(%arg12 : memref<128x128xf32, #tpu.memory_space<vmem>>)
    %scan3A_339 = arith.constant 0 : i32
    %scan3A_340 = arith.constant 128 : i32
    %scan3A_341 = arith.addi %scan3A_339, %scan3A_340 : i32
    %scan3A_342 = arith.constant 1 : i32
    scf.for %scan3A_432 = %scan3A_339 to %scan3A_341 step %scan3A_342  : i32 {
      %mul3A_433 = arith.constant 1 : i32
      %mul3A_434 = arith.muli %scan3A_432, %mul3A_433 : i32
      %add3A_435 = arith.constant 0 : i32
      %add3A_436 = arith.addi %add3A_435, %mul3A_434 : i32
      %add3A_437 = arith.constant 0 : i32
      %add3A_438 = arith.addi %add3A_437, %add3A_436 : i32
      %get3A = arith.index_cast %add3A_436 : i32 to index
      %get3A_439 = arith.constant 0 : index
      %get3A_440 = tpu.vector_load %arg12[%get3A, %get3A_439] {strides = array<i32>} : memref<128x128xf32, #tpu.memory_space<vmem>>, vector<1x16xf32>,
      %get3A_441 = vector.shape_cast %get3A_440 : vector<1x16xf32> to vector<1x16xf32>
      %get3A_442 = arith.index_cast %add3A_438 : i32 to index
      %get3A_443 = arith.constant 0 : index
      %get3A_444 = tpu.vector_load %arg7[%get3A_442, %get3A_443] {strides = array<i32>} : memref<256x128xf32, #tpu.memory_space<vmem>>, vector<1x16xf32>,
      %get3A_445 = vector.shape_cast %get3A_444 : vector<1x16xf32> to vector<1x16xf32>
      %add3A_446 = arith.addf %get3A_441, %get3A_445 : vector<1x16xf32>
      %swap3A = arith.index_cast %add3A_436 : i32 to index
      %swap3A_447 = arith.constant 0 : index
      %swap3A_448 = tpu.vector_load %arg12[%swap3A, %swap3A_447] {strides = array<i32>} : memref<128x128xf32, #tpu.memory_space<vmem>>, vector<1x16xf32>,
      %swap3A_449 = vector.shape_cast %swap3A_448 : vector<1x16xf32> to vector<1x16xf32>
      %swap3A_450 = vector.shape_cast %add3A_446 : vector<1x16xf32> to vector<1x16xf32>
      tpu.vector_store %arg12[%swap3A, %swap3A_447], %swap3A_450 {strides = array<i32>} : memref<128x128xf32, #tpu.memory_space<vmem>>, vector<1x16xf32>,
      %add3A_451 = arith.constant 0 : i32
      %add3A_452 = arith.addi %add3A_451, %add3A_436 : i32
      %get3A_453 = arith.index_cast %add3A_436 : i32 to index
      %get3A_454 = arith.constant 16 : index
      %get3A_455 = tpu.vector_load %arg12[%get3A_453, %get3A_454] {strides = array<i32>} : memref<128x128xf32, #tpu.memory_space<vmem>>, vector<1x16xf32>,
      %get3A_456 = vector.shape_cast %get3A_455 : vector<1x16xf32> to vector<1x16xf32>
      %get3A_457 = arith.index_cast %add3A_452 : i32 to index
      %get3A_458 = arith.constant 16 : index
      %get3A_459 = tpu.vector_load %arg7[%get3A_457, %get3A_458] {strides = array<i32>} : memref<256x128xf32, #tpu.memory_space<vmem>>, vector<1x16xf32>,
      %get3A_460 = vector.shape_cast %get3A_459 : vector<1x16xf32> to vector<1x16xf32>
      %add3A_461 = arith.addf %get3A_456, %get3A_460 : vector<1x16xf32>
      %swap3A_462 = arith.index_cast %add3A_436 : i32 to index
      %swap3A_463 = arith.constant 16 : index
      %swap3A_464 = tpu.vector_load %arg12[%swap3A_462, %swap3A_463] {strides = array<i32>} : memref<128x128xf32, #tpu.memory_space<vmem>>, vector<1x16xf32>,
      %swap3A_465 = vector.shape_cast %swap3A_464 : vector<1x16xf32> to vector<1x16xf32>
      %swap3A_466 = vector.shape_cast %add3A_461 : vector<1x16xf32> to vector<1x16xf32>
      tpu.vector_store %arg12[%swap3A_462, %swap3A_463], %swap3A_466 {strides = array<i32>} : memref<128x128xf32, #tpu.memory_space<vmem>>, vector<1x16xf32>,
      %add3A_467 = arith.constant 0 : i32
      %add3A_468 = arith.addi %add3A_467, %add3A_436 : i32
      %get3A_469 = arith.index_cast %add3A_436 : i32 to index
      %get3A_470 = arith.constant 32 : index
      %get3A_471 = tpu.vector_load %arg12[%get3A_469, %get3A_470] {strides = array<i32>} : memref<128x128xf32, #tpu.memory_space<vmem>>, vector<1x16xf32>,
      %get3A_472 = vector.shape_cast %get3A_471 : vector<1x16xf32> to vector<1x16xf32>
      %get3A_473 = arith.index_cast %add3A_468 : i32 to index
      %get3A_474 = arith.constant 32 : index
      %get3A_475 = tpu.vector_load %arg7[%get3A_473, %get3A_474] {strides = array<i32>} : memref<256x128xf32, #tpu.memory_space<vmem>>, vector<1x16xf32>,
      %get3A_476 = vector.shape_cast %get3A_475 : vector<1x16xf32> to vector<1x16xf32>
      %add3A_477 = arith.addf %get3A_472, %get3A_476 : vector<1x16xf32>
      %swap3A_478 = arith.index_cast %add3A_436 : i32 to index
      %swap3A_479 = arith.constant 32 : index
      %swap3A_480 = tpu.vector_load %arg12[%swap3A_478, %swap3A_479] {strides = array<i32>} : memref<128x128xf32, #tpu.memory_space<vmem>>, vector<1x16xf32>,
      %swap3A_481 = vector.shape_cast %swap3A_480 : vector<1x16xf32> to vector<1x16xf32>
      %swap3A_482 = vector.shape_cast %add3A_477 : vector<1x16xf32> to vector<1x16xf32>
      tpu.vector_store %arg12[%swap3A_478, %swap3A_479], %swap3A_482 {strides = array<i32>} : memref<128x128xf32, #tpu.memory_space<vmem>>, vector<1x16xf32>,
      %add3A_483 = arith.constant 0 : i32
      %add3A_484 = arith.addi %add3A_483, %add3A_436 : i32
      %get3A_485 = arith.index_cast %add3A_436 : i32 to index
      %get3A_486 = arith.constant 48 : index
      %get3A_487 = tpu.vector_load %arg12[%get3A_485, %get3A_486] {strides = array<i32>} : memref<128x128xf32, #tpu.memory_space<vmem>>, vector<1x16xf32>,
      %get3A_488 = vector.shape_cast %get3A_487 : vector<1x16xf32> to vector<1x16xf32>
      %get3A_489 = arith.index_cast %add3A_484 : i32 to index
      %get3A_490 = arith.constant 48 : index
      %get3A_491 = tpu.vector_load %arg7[%get3A_489, %get3A_490] {strides = array<i32>} : memref<256x128xf32, #tpu.memory_space<vmem>>, vector<1x16xf32>,
      %get3A_492 = vector.shape_cast %get3A_491 : vector<1x16xf32> to vector<1x16xf32>
      %add3A_493 = arith.addf %get3A_488, %get3A_492 : vector<1x16xf32>
      %swap3A_494 = arith.index_cast %add3A_436 : i32 to index
      %swap3A_495 = arith.constant 48 : index
      %swap3A_496 = tpu.vector_load %arg12[%swap3A_494, %swap3A_495] {strides = array<i32>} : memref<128x128xf32, #tpu.memory_space<vmem>>, vector<1x16xf32>,
      %swap3A_497 = vector.shape_cast %swap3A_496 : vector<1x16xf32> to vector<1x16xf32>
      %swap3A_498 = vector.shape_cast %add3A_493 : vector<1x16xf32> to vector<1x16xf32>
      tpu.vector_store %arg12[%swap3A_494, %swap3A_495], %swap3A_498 {strides = array<i32>} : memref<128x128xf32, #tpu.memory_space<vmem>>, vector<1x16xf32>,
      %add3A_499 = arith.constant 0 : i32
      %add3A_500 = arith.addi %add3A_499, %add3A_436 : i32
      %get3A_501 = arith.index_cast %add3A_436 : i32 to index
      %get3A_502 = arith.constant 64 : index
      %get3A_503 = tpu.vector_load %arg12[%get3A_501, %get3A_502] {strides = array<i32>} : memref<128x128xf32, #tpu.memory_space<vmem>>, vector<1x16xf32>,
      %get3A_504 = vector.shape_cast %get3A_503 : vector<1x16xf32> to vector<1x16xf32>
      %get3A_505 = arith.index_cast %add3A_500 : i32 to index
      %get3A_506 = arith.constant 64 : index
      %get3A_507 = tpu.vector_load %arg7[%get3A_505, %get3A_506] {strides = array<i32>} : memref<256x128xf32, #tpu.memory_space<vmem>>, vector<1x16xf32>,
      %get3A_508 = vector.shape_cast %get3A_507 : vector<1x16xf32> to vector<1x16xf32>
      %add3A_509 = arith.addf %get3A_504, %get3A_508 : vector<1x16xf32>
      %swap3A_510 = arith.index_cast %add3A_436 : i32 to index
      %swap3A_511 = arith.constant 64 : index
      %swap3A_512 = tpu.vector_load %arg12[%swap3A_510, %swap3A_511] {strides = array<i32>} : memref<128x128xf32, #tpu.memory_space<vmem>>, vector<1x16xf32>,
      %swap3A_513 = vector.shape_cast %swap3A_512 : vector<1x16xf32> to vector<1x16xf32>
      %swap3A_514 = vector.shape_cast %add3A_509 : vector<1x16xf32> to vector<1x16xf32>
      tpu.vector_store %arg12[%swap3A_510, %swap3A_511], %swap3A_514 {strides = array<i32>} : memref<128x128xf32, #tpu.memory_space<vmem>>, vector<1x16xf32>,
      %add3A_515 = arith.constant 0 : i32
      %add3A_516 = arith.addi %add3A_515, %add3A_436 : i32
      %get3A_517 = arith.index_cast %add3A_436 : i32 to index
      %get3A_518 = arith.constant 80 : index
      %get3A_519 = tpu.vector_load %arg12[%get3A_517, %get3A_518] {strides = array<i32>} : memref<128x128xf32, #tpu.memory_space<vmem>>, vector<1x16xf32>,
      %get3A_520 = vector.shape_cast %get3A_519 : vector<1x16xf32> to vector<1x16xf32>
      %get3A_521 = arith.index_cast %add3A_516 : i32 to index
      %get3A_522 = arith.constant 80 : index
      %get3A_523 = tpu.vector_load %arg7[%get3A_521, %get3A_522] {strides = array<i32>} : memref<256x128xf32, #tpu.memory_space<vmem>>, vector<1x16xf32>,
      %get3A_524 = vector.shape_cast %get3A_523 : vector<1x16xf32> to vector<1x16xf32>
      %add3A_525 = arith.addf %get3A_520, %get3A_524 : vector<1x16xf32>
      %swap3A_526 = arith.index_cast %add3A_436 : i32 to index
      %swap3A_527 = arith.constant 80 : index
      %swap3A_528 = tpu.vector_load %arg12[%swap3A_526, %swap3A_527] {strides = array<i32>} : memref<128x128xf32, #tpu.memory_space<vmem>>, vector<1x16xf32>,
      %swap3A_529 = vector.shape_cast %swap3A_528 : vector<1x16xf32> to vector<1x16xf32>
      %swap3A_530 = vector.shape_cast %add3A_525 : vector<1x16xf32> to vector<1x16xf32>
      tpu.vector_store %arg12[%swap3A_526, %swap3A_527], %swap3A_530 {strides = array<i32>} : memref<128x128xf32, #tpu.memory_space<vmem>>, vector<1x16xf32>,
      %add3A_531 = arith.constant 0 : i32
      %add3A_532 = arith.addi %add3A_531, %add3A_436 : i32
      %get3A_533 = arith.index_cast %add3A_436 : i32 to index
      %get3A_534 = arith.constant 96 : index
      %get3A_535 = tpu.vector_load %arg12[%get3A_533, %get3A_534] {strides = array<i32>} : memref<128x128xf32, #tpu.memory_space<vmem>>, vector<1x16xf32>,
      %get3A_536 = vector.shape_cast %get3A_535 : vector<1x16xf32> to vector<1x16xf32>
      %get3A_537 = arith.index_cast %add3A_532 : i32 to index
      %get3A_538 = arith.constant 96 : index
      %get3A_539 = tpu.vector_load %arg7[%get3A_537, %get3A_538] {strides = array<i32>} : memref<256x128xf32, #tpu.memory_space<vmem>>, vector<1x16xf32>,
      %get3A_540 = vector.shape_cast %get3A_539 : vector<1x16xf32> to vector<1x16xf32>
      %add3A_541 = arith.addf %get3A_536, %get3A_540 : vector<1x16xf32>
      %swap3A_542 = arith.index_cast %add3A_436 : i32 to index
      %swap3A_543 = arith.constant 96 : index
      %swap3A_544 = tpu.vector_load %arg12[%swap3A_542, %swap3A_543] {strides = array<i32>} : memref<128x128xf32, #tpu.memory_space<vmem>>, vector<1x16xf32>,
      %swap3A_545 = vector.shape_cast %swap3A_544 : vector<1x16xf32> to vector<1x16xf32>
      %swap3A_546 = vector.shape_cast %add3A_541 : vector<1x16xf32> to vector<1x16xf32>
      tpu.vector_store %arg12[%swap3A_542, %swap3A_543], %swap3A_546 {strides = array<i32>} : memref<128x128xf32, #tpu.memory_space<vmem>>, vector<1x16xf32>,
      %add3A_547 = arith.constant 0 : i32
      %add3A_548 = arith.addi %add3A_547, %add3A_436 : i32
      %get3A_549 = arith.index_cast %add3A_436 : i32 to index
      %get3A_550 = arith.constant 112 : index
      %get3A_551 = tpu.vector_load %arg12[%get3A_549, %get3A_550] {strides = array<i32>} : memref<128x128xf32, #tpu.memory_space<vmem>>, vector<1x16xf32>,
      %get3A_552 = vector.shape_cast %get3A_551 : vector<1x16xf32> to vector<1x16xf32>
      %get3A_553 = arith.index_cast %add3A_548 : i32 to index
      %get3A_554 = arith.constant 112 : index
      %get3A_555 = tpu.vector_load %arg7[%get3A_553, %get3A_554] {strides = array<i32>} : memref<256x128xf32, #tpu.memory_space<vmem>>, vector<1x16xf32>,
      %get3A_556 = vector.shape_cast %get3A_555 : vector<1x16xf32> to vector<1x16xf32>
      %add3A_557 = arith.addf %get3A_552, %get3A_556 : vector<1x16xf32>
      %swap3A_558 = arith.index_cast %add3A_436 : i32 to index
      %swap3A_559 = arith.constant 112 : index
      %swap3A_560 = tpu.vector_load %arg12[%swap3A_558, %swap3A_559] {strides = array<i32>} : memref<128x128xf32, #tpu.memory_space<vmem>>, vector<1x16xf32>,
      %swap3A_561 = vector.shape_cast %swap3A_560 : vector<1x16xf32> to vector<1x16xf32>
      %swap3A_562 = vector.shape_cast %add3A_557 : vector<1x16xf32> to vector<1x16xf32>
      tpu.vector_store %arg12[%swap3A_558, %swap3A_559], %swap3A_562 {strides = array<i32>} : memref<128x128xf32, #tpu.memory_space<vmem>>, vector<1x16xf32>,
    }
    %scan3A_343 = arith.constant 128 : i32
    %add3A_344 = arith.constant 16384 : i32
    %add3A_345 = arith.addi %add3A_344, %mul3A_2 : i32
    %add3A_346 = arith.constant 0 : i32
    %add3A_347 = arith.addi %add3A_345, %add3A_346 : i32
    %dma_start3A_348 = arith.constant 0 : i32
    %dma_start3A_349 = tpu.memref_slice %arg5[%add3A_347, %dma_start3A_348] : memref<32768x128xf32, #tpu.memory_space<hbm>> -> memref<128x128xf32, #tpu.memory_space<hbm>>
    %dma_start3A_350 = arith.constant 0 : i32
    %dma_start3A_351 = tpu.memref_slice %arg5[%add3A_347, %dma_start3A_350] : memref<32768x128xf32, #tpu.memory_space<hbm>> -> memref<128x128xf32, #tpu.memory_space<hbm>>
    tpu.enqueue_dma source(%arg12 : memref<128x128xf32, #tpu.memory_space<vmem>>) target(%dma_start3A_351 : memref<128x128xf32, #tpu.memory_space<hbm>>) target_semaphore(%arg22 : memref<!tpu.dma_semaphore, #tpu.memory_space<semaphore_mem>>)
    %dma_wait3A_352 = arith.constant 5 : i32
    %dma_wait3A_353 = arith.constant 0 : i32
    %dma_wait3A_354 = tpu.memref_slice %arg6[%dma_wait3A_352, %dma_wait3A_353] : memref<8x128xi32, #tpu.memory_space<vmem>> -> memref<1x128xi32, #tpu.memory_space<vmem>>
    %dma_wait3A_355 = tpu.memref_squeeze %dma_wait3A_354 : memref<1x128xi32, #tpu.memory_space<vmem>> -> memref<128xi32, #tpu.memory_space<vmem>>
    %dma_wait3A_356 = arith.constant 0 : i32
    %dma_wait3A_357 = arith.constant 0 : i32
    %dma_wait3A_358 = tpu.memref_slice %arg2[%dma_wait3A_356, %dma_wait3A_357] : memref<100000x128xf32, #tpu.memory_space<hbm>> -> memref<100000x128xf32, #tpu.memory_space<hbm>>
    tpu.wait_indirect_dma semaphore(%arg13 : memref<!tpu.dma_semaphore, #tpu.memory_space<semaphore_mem>>) src(%dma_wait3A_358 : memref<100000x128xf32, #tpu.memory_space<hbm>>) dst(%arg8 : memref<128x128xf32, #tpu.memory_space<vmem>>)
    %scan3A_359 = arith.constant 0 : i32
    %scan3A_360 = arith.constant 128 : i32
    %scan3A_361 = arith.addi %scan3A_359, %scan3A_360 : i32
    %scan3A_362 = arith.constant 1 : i32
    scf.for %scan3A_432 = %scan3A_359 to %scan3A_361 step %scan3A_362  : i32 {
      %mul3A_433 = arith.constant 1 : i32
      %mul3A_434 = arith.muli %scan3A_432, %mul3A_433 : i32
      %add3A_435 = arith.constant 0 : i32
      %add3A_436 = arith.addi %add3A_435, %mul3A_434 : i32
      %add3A_437 = arith.constant 128 : i32
      %add3A_438 = arith.addi %add3A_437, %add3A_436 : i32
      %get3A = arith.index_cast %add3A_436 : i32 to index
      %get3A_439 = arith.constant 0 : index
      %get3A_440 = tpu.vector_load %arg8[%get3A, %get3A_439] {strides = array<i32>} : memref<128x128xf32, #tpu.memory_space<vmem>>, vector<1x16xf32>,
      %get3A_441 = vector.shape_cast %get3A_440 : vector<1x16xf32> to vector<1x16xf32>
      %get3A_442 = arith.index_cast %add3A_438 : i32 to index
      %get3A_443 = arith.constant 0 : index
      %get3A_444 = tpu.vector_load %arg7[%get3A_442, %get3A_443] {strides = array<i32>} : memref<256x128xf32, #tpu.memory_space<vmem>>, vector<1x16xf32>,
      %get3A_445 = vector.shape_cast %get3A_444 : vector<1x16xf32> to vector<1x16xf32>
      %add3A_446 = arith.addf %get3A_441, %get3A_445 : vector<1x16xf32>
      %swap3A = arith.index_cast %add3A_436 : i32 to index
      %swap3A_447 = arith.constant 0 : index
      %swap3A_448 = tpu.vector_load %arg8[%swap3A, %swap3A_447] {strides = array<i32>} : memref<128x128xf32, #tpu.memory_space<vmem>>, vector<1x16xf32>,
      %swap3A_449 = vector.shape_cast %swap3A_448 : vector<1x16xf32> to vector<1x16xf32>
      %swap3A_450 = vector.shape_cast %add3A_446 : vector<1x16xf32> to vector<1x16xf32>
      tpu.vector_store %arg8[%swap3A, %swap3A_447], %swap3A_450 {strides = array<i32>} : memref<128x128xf32, #tpu.memory_space<vmem>>, vector<1x16xf32>,
      %add3A_451 = arith.constant 128 : i32
      %add3A_452 = arith.addi %add3A_451, %add3A_436 : i32
      %get3A_453 = arith.index_cast %add3A_436 : i32 to index
      %get3A_454 = arith.constant 16 : index
      %get3A_455 = tpu.vector_load %arg8[%get3A_453, %get3A_454] {strides = array<i32>} : memref<128x128xf32, #tpu.memory_space<vmem>>, vector<1x16xf32>,
      %get3A_456 = vector.shape_cast %get3A_455 : vector<1x16xf32> to vector<1x16xf32>
      %get3A_457 = arith.index_cast %add3A_452 : i32 to index
      %get3A_458 = arith.constant 16 : index
      %get3A_459 = tpu.vector_load %arg7[%get3A_457, %get3A_458] {strides = array<i32>} : memref<256x128xf32, #tpu.memory_space<vmem>>, vector<1x16xf32>,
      %get3A_460 = vector.shape_cast %get3A_459 : vector<1x16xf32> to vector<1x16xf32>
      %add3A_461 = arith.addf %get3A_456, %get3A_460 : vector<1x16xf32>
      %swap3A_462 = arith.index_cast %add3A_436 : i32 to index
      %swap3A_463 = arith.constant 16 : index
      %swap3A_464 = tpu.vector_load %arg8[%swap3A_462, %swap3A_463] {strides = array<i32>} : memref<128x128xf32, #tpu.memory_space<vmem>>, vector<1x16xf32>,
      %swap3A_465 = vector.shape_cast %swap3A_464 : vector<1x16xf32> to vector<1x16xf32>
      %swap3A_466 = vector.shape_cast %add3A_461 : vector<1x16xf32> to vector<1x16xf32>
      tpu.vector_store %arg8[%swap3A_462, %swap3A_463], %swap3A_466 {strides = array<i32>} : memref<128x128xf32, #tpu.memory_space<vmem>>, vector<1x16xf32>,
      %add3A_467 = arith.constant 128 : i32
      %add3A_468 = arith.addi %add3A_467, %add3A_436 : i32
      %get3A_469 = arith.index_cast %add3A_436 : i32 to index
      %get3A_470 = arith.constant 32 : index
      %get3A_471 = tpu.vector_load %arg8[%get3A_469, %get3A_470] {strides = array<i32>} : memref<128x128xf32, #tpu.memory_space<vmem>>, vector<1x16xf32>,
      %get3A_472 = vector.shape_cast %get3A_471 : vector<1x16xf32> to vector<1x16xf32>
      %get3A_473 = arith.index_cast %add3A_468 : i32 to index
      %get3A_474 = arith.constant 32 : index
      %get3A_475 = tpu.vector_load %arg7[%get3A_473, %get3A_474] {strides = array<i32>} : memref<256x128xf32, #tpu.memory_space<vmem>>, vector<1x16xf32>,
      %get3A_476 = vector.shape_cast %get3A_475 : vector<1x16xf32> to vector<1x16xf32>
      %add3A_477 = arith.addf %get3A_472, %get3A_476 : vector<1x16xf32>
      %swap3A_478 = arith.index_cast %add3A_436 : i32 to index
      %swap3A_479 = arith.constant 32 : index
      %swap3A_480 = tpu.vector_load %arg8[%swap3A_478, %swap3A_479] {strides = array<i32>} : memref<128x128xf32, #tpu.memory_space<vmem>>, vector<1x16xf32>,
      %swap3A_481 = vector.shape_cast %swap3A_480 : vector<1x16xf32> to vector<1x16xf32>
      %swap3A_482 = vector.shape_cast %add3A_477 : vector<1x16xf32> to vector<1x16xf32>
      tpu.vector_store %arg8[%swap3A_478, %swap3A_479], %swap3A_482 {strides = array<i32>} : memref<128x128xf32, #tpu.memory_space<vmem>>, vector<1x16xf32>,
      %add3A_483 = arith.constant 128 : i32
      %add3A_484 = arith.addi %add3A_483, %add3A_436 : i32
      %get3A_485 = arith.index_cast %add3A_436 : i32 to index
      %get3A_486 = arith.constant 48 : index
      %get3A_487 = tpu.vector_load %arg8[%get3A_485, %get3A_486] {strides = array<i32>} : memref<128x128xf32, #tpu.memory_space<vmem>>, vector<1x16xf32>,
      %get3A_488 = vector.shape_cast %get3A_487 : vector<1x16xf32> to vector<1x16xf32>
      %get3A_489 = arith.index_cast %add3A_484 : i32 to index
      %get3A_490 = arith.constant 48 : index
      %get3A_491 = tpu.vector_load %arg7[%get3A_489, %get3A_490] {strides = array<i32>} : memref<256x128xf32, #tpu.memory_space<vmem>>, vector<1x16xf32>,
      %get3A_492 = vector.shape_cast %get3A_491 : vector<1x16xf32> to vector<1x16xf32>
      %add3A_493 = arith.addf %get3A_488, %get3A_492 : vector<1x16xf32>
      %swap3A_494 = arith.index_cast %add3A_436 : i32 to index
      %swap3A_495 = arith.constant 48 : index
      %swap3A_496 = tpu.vector_load %arg8[%swap3A_494, %swap3A_495] {strides = array<i32>} : memref<128x128xf32, #tpu.memory_space<vmem>>, vector<1x16xf32>,
      %swap3A_497 = vector.shape_cast %swap3A_496 : vector<1x16xf32> to vector<1x16xf32>
      %swap3A_498 = vector.shape_cast %add3A_493 : vector<1x16xf32> to vector<1x16xf32>
      tpu.vector_store %arg8[%swap3A_494, %swap3A_495], %swap3A_498 {strides = array<i32>} : memref<128x128xf32, #tpu.memory_space<vmem>>, vector<1x16xf32>,
      %add3A_499 = arith.constant 128 : i32
      %add3A_500 = arith.addi %add3A_499, %add3A_436 : i32
      %get3A_501 = arith.index_cast %add3A_436 : i32 to index
      %get3A_502 = arith.constant 64 : index
      %get3A_503 = tpu.vector_load %arg8[%get3A_501, %get3A_502] {strides = array<i32>} : memref<128x128xf32, #tpu.memory_space<vmem>>, vector<1x16xf32>,
      %get3A_504 = vector.shape_cast %get3A_503 : vector<1x16xf32> to vector<1x16xf32>
      %get3A_505 = arith.index_cast %add3A_500 : i32 to index
      %get3A_506 = arith.constant 64 : index
      %get3A_507 = tpu.vector_load %arg7[%get3A_505, %get3A_506] {strides = array<i32>} : memref<256x128xf32, #tpu.memory_space<vmem>>, vector<1x16xf32>,
      %get3A_508 = vector.shape_cast %get3A_507 : vector<1x16xf32> to vector<1x16xf32>
      %add3A_509 = arith.addf %get3A_504, %get3A_508 : vector<1x16xf32>
      %swap3A_510 = arith.index_cast %add3A_436 : i32 to index
      %swap3A_511 = arith.constant 64 : index
      %swap3A_512 = tpu.vector_load %arg8[%swap3A_510, %swap3A_511] {strides = array<i32>} : memref<128x128xf32, #tpu.memory_space<vmem>>, vector<1x16xf32>,
      %swap3A_513 = vector.shape_cast %swap3A_512 : vector<1x16xf32> to vector<1x16xf32>
      %swap3A_514 = vector.shape_cast %add3A_509 : vector<1x16xf32> to vector<1x16xf32>
      tpu.vector_store %arg8[%swap3A_510, %swap3A_511], %swap3A_514 {strides = array<i32>} : memref<128x128xf32, #tpu.memory_space<vmem>>, vector<1x16xf32>,
      %add3A_515 = arith.constant 128 : i32
      %add3A_516 = arith.addi %add3A_515, %add3A_436 : i32
      %get3A_517 = arith.index_cast %add3A_436 : i32 to index
      %get3A_518 = arith.constant 80 : index
      %get3A_519 = tpu.vector_load %arg8[%get3A_517, %get3A_518] {strides = array<i32>} : memref<128x128xf32, #tpu.memory_space<vmem>>, vector<1x16xf32>,
      %get3A_520 = vector.shape_cast %get3A_519 : vector<1x16xf32> to vector<1x16xf32>
      %get3A_521 = arith.index_cast %add3A_516 : i32 to index
      %get3A_522 = arith.constant 80 : index
      %get3A_523 = tpu.vector_load %arg7[%get3A_521, %get3A_522] {strides = array<i32>} : memref<256x128xf32, #tpu.memory_space<vmem>>, vector<1x16xf32>,
      %get3A_524 = vector.shape_cast %get3A_523 : vector<1x16xf32> to vector<1x16xf32>
      %add3A_525 = arith.addf %get3A_520, %get3A_524 : vector<1x16xf32>
      %swap3A_526 = arith.index_cast %add3A_436 : i32 to index
      %swap3A_527 = arith.constant 80 : index
      %swap3A_528 = tpu.vector_load %arg8[%swap3A_526, %swap3A_527] {strides = array<i32>} : memref<128x128xf32, #tpu.memory_space<vmem>>, vector<1x16xf32>,
      %swap3A_529 = vector.shape_cast %swap3A_528 : vector<1x16xf32> to vector<1x16xf32>
      %swap3A_530 = vector.shape_cast %add3A_525 : vector<1x16xf32> to vector<1x16xf32>
      tpu.vector_store %arg8[%swap3A_526, %swap3A_527], %swap3A_530 {strides = array<i32>} : memref<128x128xf32, #tpu.memory_space<vmem>>, vector<1x16xf32>,
      %add3A_531 = arith.constant 128 : i32
      %add3A_532 = arith.addi %add3A_531, %add3A_436 : i32
      %get3A_533 = arith.index_cast %add3A_436 : i32 to index
      %get3A_534 = arith.constant 96 : index
      %get3A_535 = tpu.vector_load %arg8[%get3A_533, %get3A_534] {strides = array<i32>} : memref<128x128xf32, #tpu.memory_space<vmem>>, vector<1x16xf32>,
      %get3A_536 = vector.shape_cast %get3A_535 : vector<1x16xf32> to vector<1x16xf32>
      %get3A_537 = arith.index_cast %add3A_532 : i32 to index
      %get3A_538 = arith.constant 96 : index
      %get3A_539 = tpu.vector_load %arg7[%get3A_537, %get3A_538] {strides = array<i32>} : memref<256x128xf32, #tpu.memory_space<vmem>>, vector<1x16xf32>,
      %get3A_540 = vector.shape_cast %get3A_539 : vector<1x16xf32> to vector<1x16xf32>
      %add3A_541 = arith.addf %get3A_536, %get3A_540 : vector<1x16xf32>
      %swap3A_542 = arith.index_cast %add3A_436 : i32 to index
      %swap3A_543 = arith.constant 96 : index
      %swap3A_544 = tpu.vector_load %arg8[%swap3A_542, %swap3A_543] {strides = array<i32>} : memref<128x128xf32, #tpu.memory_space<vmem>>, vector<1x16xf32>,
      %swap3A_545 = vector.shape_cast %swap3A_544 : vector<1x16xf32> to vector<1x16xf32>
      %swap3A_546 = vector.shape_cast %add3A_541 : vector<1x16xf32> to vector<1x16xf32>
      tpu.vector_store %arg8[%swap3A_542, %swap3A_543], %swap3A_546 {strides = array<i32>} : memref<128x128xf32, #tpu.memory_space<vmem>>, vector<1x16xf32>,
      %add3A_547 = arith.constant 128 : i32
      %add3A_548 = arith.addi %add3A_547, %add3A_436 : i32
      %get3A_549 = arith.index_cast %add3A_436 : i32 to index
      %get3A_550 = arith.constant 112 : index
      %get3A_551 = tpu.vector_load %arg8[%get3A_549, %get3A_550] {strides = array<i32>} : memref<128x128xf32, #tpu.memory_space<vmem>>, vector<1x16xf32>,
      %get3A_552 = vector.shape_cast %get3A_551 : vector<1x16xf32> to vector<1x16xf32>
      %get3A_553 = arith.index_cast %add3A_548 : i32 to index
      %get3A_554 = arith.constant 112 : index
      %get3A_555 = tpu.vector_load %arg7[%get3A_553, %get3A_554] {strides = array<i32>} : memref<256x128xf32, #tpu.memory_space<vmem>>, vector<1x16xf32>,
      %get3A_556 = vector.shape_cast %get3A_555 : vector<1x16xf32> to vector<1x16xf32>
      %add3A_557 = arith.addf %get3A_552, %get3A_556 : vector<1x16xf32>
      %swap3A_558 = arith.index_cast %add3A_436 : i32 to index
      %swap3A_559 = arith.constant 112 : index
      %swap3A_560 = tpu.vector_load %arg8[%swap3A_558, %swap3A_559] {strides = array<i32>} : memref<128x128xf32, #tpu.memory_space<vmem>>, vector<1x16xf32>,
      %swap3A_561 = vector.shape_cast %swap3A_560 : vector<1x16xf32> to vector<1x16xf32>
      %swap3A_562 = vector.shape_cast %add3A_557 : vector<1x16xf32> to vector<1x16xf32>
      tpu.vector_store %arg8[%swap3A_558, %swap3A_559], %swap3A_562 {strides = array<i32>} : memref<128x128xf32, #tpu.memory_space<vmem>>, vector<1x16xf32>,
    }
    %scan3A_363 = arith.constant 128 : i32
    %add3A_364 = arith.constant 16384 : i32
    %add3A_365 = arith.addi %add3A_364, %mul3A_2 : i32
    %add3A_366 = arith.constant 128 : i32
    %add3A_367 = arith.addi %add3A_365, %add3A_366 : i32
    %dma_start3A_368 = arith.constant 0 : i32
    %dma_start3A_369 = tpu.memref_slice %arg5[%add3A_367, %dma_start3A_368] : memref<32768x128xf32, #tpu.memory_space<hbm>> -> memref<128x128xf32, #tpu.memory_space<hbm>>
    %dma_start3A_370 = arith.constant 0 : i32
    %dma_start3A_371 = tpu.memref_slice %arg5[%add3A_367, %dma_start3A_370] : memref<32768x128xf32, #tpu.memory_space<hbm>> -> memref<128x128xf32, #tpu.memory_space<hbm>>
    tpu.enqueue_dma source(%arg8 : memref<128x128xf32, #tpu.memory_space<vmem>>) target(%dma_start3A_371 : memref<128x128xf32, #tpu.memory_space<hbm>>) target_semaphore(%arg18 : memref<!tpu.dma_semaphore, #tpu.memory_space<semaphore_mem>>)
    %dma_wait3A_372 = arith.constant 6 : i32
    %dma_wait3A_373 = arith.constant 0 : i32
    %dma_wait3A_374 = tpu.memref_slice %arg6[%dma_wait3A_372, %dma_wait3A_373] : memref<8x128xi32, #tpu.memory_space<vmem>> -> memref<1x128xi32, #tpu.memory_space<vmem>>
    %dma_wait3A_375 = tpu.memref_squeeze %dma_wait3A_374 : memref<1x128xi32, #tpu.memory_space<vmem>> -> memref<128xi32, #tpu.memory_space<vmem>>
    %dma_wait3A_376 = arith.constant 0 : i32
    %dma_wait3A_377 = arith.constant 0 : i32
    %dma_wait3A_378 = tpu.memref_slice %arg2[%dma_wait3A_376, %dma_wait3A_377] : memref<100000x128xf32, #tpu.memory_space<hbm>> -> memref<100000x128xf32, #tpu.memory_space<hbm>>
    tpu.wait_indirect_dma semaphore(%arg14 : memref<!tpu.dma_semaphore, #tpu.memory_space<semaphore_mem>>) src(%dma_wait3A_378 : memref<100000x128xf32, #tpu.memory_space<hbm>>) dst(%arg9 : memref<128x128xf32, #tpu.memory_space<vmem>>)
    %scan3A_379 = arith.constant 0 : i32
    %scan3A_380 = arith.constant 128 : i32
    %scan3A_381 = arith.addi %scan3A_379, %scan3A_380 : i32
    %scan3A_382 = arith.constant 1 : i32
    scf.for %scan3A_432 = %scan3A_379 to %scan3A_381 step %scan3A_382  : i32 {
      %mul3A_433 = arith.constant 1 : i32
      %mul3A_434 = arith.muli %scan3A_432, %mul3A_433 : i32
      %add3A_435 = arith.constant 0 : i32
      %add3A_436 = arith.addi %add3A_435, %mul3A_434 : i32
      %add3A_437 = arith.constant 0 : i32
      %add3A_438 = arith.addi %add3A_437, %add3A_436 : i32
      %get3A = arith.index_cast %add3A_436 : i32 to index
      %get3A_439 = arith.constant 0 : index
      %get3A_440 = tpu.vector_load %arg9[%get3A, %get3A_439] {strides = array<i32>} : memref<128x128xf32, #tpu.memory_space<vmem>>, vector<1x16xf32>,
      %get3A_441 = vector.shape_cast %get3A_440 : vector<1x16xf32> to vector<1x16xf32>
      %get3A_442 = arith.index_cast %add3A_438 : i32 to index
      %get3A_443 = arith.constant 0 : index
      %get3A_444 = tpu.vector_load %arg7[%get3A_442, %get3A_443] {strides = array<i32>} : memref<256x128xf32, #tpu.memory_space<vmem>>, vector<1x16xf32>,
      %get3A_445 = vector.shape_cast %get3A_444 : vector<1x16xf32> to vector<1x16xf32>
      %add3A_446 = arith.addf %get3A_441, %get3A_445 : vector<1x16xf32>
      %swap3A = arith.index_cast %add3A_436 : i32 to index
      %swap3A_447 = arith.constant 0 : index
      %swap3A_448 = tpu.vector_load %arg9[%swap3A, %swap3A_447] {strides = array<i32>} : memref<128x128xf32, #tpu.memory_space<vmem>>, vector<1x16xf32>,
      %swap3A_449 = vector.shape_cast %swap3A_448 : vector<1x16xf32> to vector<1x16xf32>
      %swap3A_450 = vector.shape_cast %add3A_446 : vector<1x16xf32> to vector<1x16xf32>
      tpu.vector_store %arg9[%swap3A, %swap3A_447], %swap3A_450 {strides = array<i32>} : memref<128x128xf32, #tpu.memory_space<vmem>>, vector<1x16xf32>,
      %add3A_451 = arith.constant 0 : i32
      %add3A_452 = arith.addi %add3A_451, %add3A_436 : i32
      %get3A_453 = arith.index_cast %add3A_436 : i32 to index
      %get3A_454 = arith.constant 16 : index
      %get3A_455 = tpu.vector_load %arg9[%get3A_453, %get3A_454] {strides = array<i32>} : memref<128x128xf32, #tpu.memory_space<vmem>>, vector<1x16xf32>,
      %get3A_456 = vector.shape_cast %get3A_455 : vector<1x16xf32> to vector<1x16xf32>
      %get3A_457 = arith.index_cast %add3A_452 : i32 to index
      %get3A_458 = arith.constant 16 : index
      %get3A_459 = tpu.vector_load %arg7[%get3A_457, %get3A_458] {strides = array<i32>} : memref<256x128xf32, #tpu.memory_space<vmem>>, vector<1x16xf32>,
      %get3A_460 = vector.shape_cast %get3A_459 : vector<1x16xf32> to vector<1x16xf32>
      %add3A_461 = arith.addf %get3A_456, %get3A_460 : vector<1x16xf32>
      %swap3A_462 = arith.index_cast %add3A_436 : i32 to index
      %swap3A_463 = arith.constant 16 : index
      %swap3A_464 = tpu.vector_load %arg9[%swap3A_462, %swap3A_463] {strides = array<i32>} : memref<128x128xf32, #tpu.memory_space<vmem>>, vector<1x16xf32>,
      %swap3A_465 = vector.shape_cast %swap3A_464 : vector<1x16xf32> to vector<1x16xf32>
      %swap3A_466 = vector.shape_cast %add3A_461 : vector<1x16xf32> to vector<1x16xf32>
      tpu.vector_store %arg9[%swap3A_462, %swap3A_463], %swap3A_466 {strides = array<i32>} : memref<128x128xf32, #tpu.memory_space<vmem>>, vector<1x16xf32>,
      %add3A_467 = arith.constant 0 : i32
      %add3A_468 = arith.addi %add3A_467, %add3A_436 : i32
      %get3A_469 = arith.index_cast %add3A_436 : i32 to index
      %get3A_470 = arith.constant 32 : index
      %get3A_471 = tpu.vector_load %arg9[%get3A_469, %get3A_470] {strides = array<i32>} : memref<128x128xf32, #tpu.memory_space<vmem>>, vector<1x16xf32>,
      %get3A_472 = vector.shape_cast %get3A_471 : vector<1x16xf32> to vector<1x16xf32>
      %get3A_473 = arith.index_cast %add3A_468 : i32 to index
      %get3A_474 = arith.constant 32 : index
      %get3A_475 = tpu.vector_load %arg7[%get3A_473, %get3A_474] {strides = array<i32>} : memref<256x128xf32, #tpu.memory_space<vmem>>, vector<1x16xf32>,
      %get3A_476 = vector.shape_cast %get3A_475 : vector<1x16xf32> to vector<1x16xf32>
      %add3A_477 = arith.addf %get3A_472, %get3A_476 : vector<1x16xf32>
      %swap3A_478 = arith.index_cast %add3A_436 : i32 to index
      %swap3A_479 = arith.constant 32 : index
      %swap3A_480 = tpu.vector_load %arg9[%swap3A_478, %swap3A_479] {strides = array<i32>} : memref<128x128xf32, #tpu.memory_space<vmem>>, vector<1x16xf32>,
      %swap3A_481 = vector.shape_cast %swap3A_480 : vector<1x16xf32> to vector<1x16xf32>
      %swap3A_482 = vector.shape_cast %add3A_477 : vector<1x16xf32> to vector<1x16xf32>
      tpu.vector_store %arg9[%swap3A_478, %swap3A_479], %swap3A_482 {strides = array<i32>} : memref<128x128xf32, #tpu.memory_space<vmem>>, vector<1x16xf32>,
      %add3A_483 = arith.constant 0 : i32
      %add3A_484 = arith.addi %add3A_483, %add3A_436 : i32
      %get3A_485 = arith.index_cast %add3A_436 : i32 to index
      %get3A_486 = arith.constant 48 : index
      %get3A_487 = tpu.vector_load %arg9[%get3A_485, %get3A_486] {strides = array<i32>} : memref<128x128xf32, #tpu.memory_space<vmem>>, vector<1x16xf32>,
      %get3A_488 = vector.shape_cast %get3A_487 : vector<1x16xf32> to vector<1x16xf32>
      %get3A_489 = arith.index_cast %add3A_484 : i32 to index
      %get3A_490 = arith.constant 48 : index
      %get3A_491 = tpu.vector_load %arg7[%get3A_489, %get3A_490] {strides = array<i32>} : memref<256x128xf32, #tpu.memory_space<vmem>>, vector<1x16xf32>,
      %get3A_492 = vector.shape_cast %get3A_491 : vector<1x16xf32> to vector<1x16xf32>
      %add3A_493 = arith.addf %get3A_488, %get3A_492 : vector<1x16xf32>
      %swap3A_494 = arith.index_cast %add3A_436 : i32 to index
      %swap3A_495 = arith.constant 48 : index
      %swap3A_496 = tpu.vector_load %arg9[%swap3A_494, %swap3A_495] {strides = array<i32>} : memref<128x128xf32, #tpu.memory_space<vmem>>, vector<1x16xf32>,
      %swap3A_497 = vector.shape_cast %swap3A_496 : vector<1x16xf32> to vector<1x16xf32>
      %swap3A_498 = vector.shape_cast %add3A_493 : vector<1x16xf32> to vector<1x16xf32>
      tpu.vector_store %arg9[%swap3A_494, %swap3A_495], %swap3A_498 {strides = array<i32>} : memref<128x128xf32, #tpu.memory_space<vmem>>, vector<1x16xf32>,
      %add3A_499 = arith.constant 0 : i32
      %add3A_500 = arith.addi %add3A_499, %add3A_436 : i32
      %get3A_501 = arith.index_cast %add3A_436 : i32 to index
      %get3A_502 = arith.constant 64 : index
      %get3A_503 = tpu.vector_load %arg9[%get3A_501, %get3A_502] {strides = array<i32>} : memref<128x128xf32, #tpu.memory_space<vmem>>, vector<1x16xf32>,
      %get3A_504 = vector.shape_cast %get3A_503 : vector<1x16xf32> to vector<1x16xf32>
      %get3A_505 = arith.index_cast %add3A_500 : i32 to index
      %get3A_506 = arith.constant 64 : index
      %get3A_507 = tpu.vector_load %arg7[%get3A_505, %get3A_506] {strides = array<i32>} : memref<256x128xf32, #tpu.memory_space<vmem>>, vector<1x16xf32>,
      %get3A_508 = vector.shape_cast %get3A_507 : vector<1x16xf32> to vector<1x16xf32>
      %add3A_509 = arith.addf %get3A_504, %get3A_508 : vector<1x16xf32>
      %swap3A_510 = arith.index_cast %add3A_436 : i32 to index
      %swap3A_511 = arith.constant 64 : index
      %swap3A_512 = tpu.vector_load %arg9[%swap3A_510, %swap3A_511] {strides = array<i32>} : memref<128x128xf32, #tpu.memory_space<vmem>>, vector<1x16xf32>,
      %swap3A_513 = vector.shape_cast %swap3A_512 : vector<1x16xf32> to vector<1x16xf32>
      %swap3A_514 = vector.shape_cast %add3A_509 : vector<1x16xf32> to vector<1x16xf32>
      tpu.vector_store %arg9[%swap3A_510, %swap3A_511], %swap3A_514 {strides = array<i32>} : memref<128x128xf32, #tpu.memory_space<vmem>>, vector<1x16xf32>,
      %add3A_515 = arith.constant 0 : i32
      %add3A_516 = arith.addi %add3A_515, %add3A_436 : i32
      %get3A_517 = arith.index_cast %add3A_436 : i32 to index
      %get3A_518 = arith.constant 80 : index
      %get3A_519 = tpu.vector_load %arg9[%get3A_517, %get3A_518] {strides = array<i32>} : memref<128x128xf32, #tpu.memory_space<vmem>>, vector<1x16xf32>,
      %get3A_520 = vector.shape_cast %get3A_519 : vector<1x16xf32> to vector<1x16xf32>
      %get3A_521 = arith.index_cast %add3A_516 : i32 to index
      %get3A_522 = arith.constant 80 : index
      %get3A_523 = tpu.vector_load %arg7[%get3A_521, %get3A_522] {strides = array<i32>} : memref<256x128xf32, #tpu.memory_space<vmem>>, vector<1x16xf32>,
      %get3A_524 = vector.shape_cast %get3A_523 : vector<1x16xf32> to vector<1x16xf32>
      %add3A_525 = arith.addf %get3A_520, %get3A_524 : vector<1x16xf32>
      %swap3A_526 = arith.index_cast %add3A_436 : i32 to index
      %swap3A_527 = arith.constant 80 : index
      %swap3A_528 = tpu.vector_load %arg9[%swap3A_526, %swap3A_527] {strides = array<i32>} : memref<128x128xf32, #tpu.memory_space<vmem>>, vector<1x16xf32>,
      %swap3A_529 = vector.shape_cast %swap3A_528 : vector<1x16xf32> to vector<1x16xf32>
      %swap3A_530 = vector.shape_cast %add3A_525 : vector<1x16xf32> to vector<1x16xf32>
      tpu.vector_store %arg9[%swap3A_526, %swap3A_527], %swap3A_530 {strides = array<i32>} : memref<128x128xf32, #tpu.memory_space<vmem>>, vector<1x16xf32>,
      %add3A_531 = arith.constant 0 : i32
      %add3A_532 = arith.addi %add3A_531, %add3A_436 : i32
      %get3A_533 = arith.index_cast %add3A_436 : i32 to index
      %get3A_534 = arith.constant 96 : index
      %get3A_535 = tpu.vector_load %arg9[%get3A_533, %get3A_534] {strides = array<i32>} : memref<128x128xf32, #tpu.memory_space<vmem>>, vector<1x16xf32>,
      %get3A_536 = vector.shape_cast %get3A_535 : vector<1x16xf32> to vector<1x16xf32>
      %get3A_537 = arith.index_cast %add3A_532 : i32 to index
      %get3A_538 = arith.constant 96 : index
      %get3A_539 = tpu.vector_load %arg7[%get3A_537, %get3A_538] {strides = array<i32>} : memref<256x128xf32, #tpu.memory_space<vmem>>, vector<1x16xf32>,
      %get3A_540 = vector.shape_cast %get3A_539 : vector<1x16xf32> to vector<1x16xf32>
      %add3A_541 = arith.addf %get3A_536, %get3A_540 : vector<1x16xf32>
      %swap3A_542 = arith.index_cast %add3A_436 : i32 to index
      %swap3A_543 = arith.constant 96 : index
      %swap3A_544 = tpu.vector_load %arg9[%swap3A_542, %swap3A_543] {strides = array<i32>} : memref<128x128xf32, #tpu.memory_space<vmem>>, vector<1x16xf32>,
      %swap3A_545 = vector.shape_cast %swap3A_544 : vector<1x16xf32> to vector<1x16xf32>
      %swap3A_546 = vector.shape_cast %add3A_541 : vector<1x16xf32> to vector<1x16xf32>
      tpu.vector_store %arg9[%swap3A_542, %swap3A_543], %swap3A_546 {strides = array<i32>} : memref<128x128xf32, #tpu.memory_space<vmem>>, vector<1x16xf32>,
      %add3A_547 = arith.constant 0 : i32
      %add3A_548 = arith.addi %add3A_547, %add3A_436 : i32
      %get3A_549 = arith.index_cast %add3A_436 : i32 to index
      %get3A_550 = arith.constant 112 : index
      %get3A_551 = tpu.vector_load %arg9[%get3A_549, %get3A_550] {strides = array<i32>} : memref<128x128xf32, #tpu.memory_space<vmem>>, vector<1x16xf32>,
      %get3A_552 = vector.shape_cast %get3A_551 : vector<1x16xf32> to vector<1x16xf32>
      %get3A_553 = arith.index_cast %add3A_548 : i32 to index
      %get3A_554 = arith.constant 112 : index
      %get3A_555 = tpu.vector_load %arg7[%get3A_553, %get3A_554] {strides = array<i32>} : memref<256x128xf32, #tpu.memory_space<vmem>>, vector<1x16xf32>,
      %get3A_556 = vector.shape_cast %get3A_555 : vector<1x16xf32> to vector<1x16xf32>
      %add3A_557 = arith.addf %get3A_552, %get3A_556 : vector<1x16xf32>
      %swap3A_558 = arith.index_cast %add3A_436 : i32 to index
      %swap3A_559 = arith.constant 112 : index
      %swap3A_560 = tpu.vector_load %arg9[%swap3A_558, %swap3A_559] {strides = array<i32>} : memref<128x128xf32, #tpu.memory_space<vmem>>, vector<1x16xf32>,
      %swap3A_561 = vector.shape_cast %swap3A_560 : vector<1x16xf32> to vector<1x16xf32>
      %swap3A_562 = vector.shape_cast %add3A_557 : vector<1x16xf32> to vector<1x16xf32>
      tpu.vector_store %arg9[%swap3A_558, %swap3A_559], %swap3A_562 {strides = array<i32>} : memref<128x128xf32, #tpu.memory_space<vmem>>, vector<1x16xf32>,
    }
    %scan3A_383 = arith.constant 128 : i32
    %add3A_384 = arith.constant 24576 : i32
    %add3A_385 = arith.addi %add3A_384, %mul3A_2 : i32
    %add3A_386 = arith.constant 0 : i32
    %add3A_387 = arith.addi %add3A_385, %add3A_386 : i32
    %dma_start3A_388 = arith.constant 0 : i32
    %dma_start3A_389 = tpu.memref_slice %arg5[%add3A_387, %dma_start3A_388] : memref<32768x128xf32, #tpu.memory_space<hbm>> -> memref<128x128xf32, #tpu.memory_space<hbm>>
    %dma_start3A_390 = arith.constant 0 : i32
    %dma_start3A_391 = tpu.memref_slice %arg5[%add3A_387, %dma_start3A_390] : memref<32768x128xf32, #tpu.memory_space<hbm>> -> memref<128x128xf32, #tpu.memory_space<hbm>>
    tpu.enqueue_dma source(%arg9 : memref<128x128xf32, #tpu.memory_space<vmem>>) target(%dma_start3A_391 : memref<128x128xf32, #tpu.memory_space<hbm>>) target_semaphore(%arg19 : memref<!tpu.dma_semaphore, #tpu.memory_space<semaphore_mem>>)
    %dma_wait3A_392 = arith.constant 7 : i32
    %dma_wait3A_393 = arith.constant 0 : i32
    %dma_wait3A_394 = tpu.memref_slice %arg6[%dma_wait3A_392, %dma_wait3A_393] : memref<8x128xi32, #tpu.memory_space<vmem>> -> memref<1x128xi32, #tpu.memory_space<vmem>>
    %dma_wait3A_395 = tpu.memref_squeeze %dma_wait3A_394 : memref<1x128xi32, #tpu.memory_space<vmem>> -> memref<128xi32, #tpu.memory_space<vmem>>
    %dma_wait3A_396 = arith.constant 0 : i32
    %dma_wait3A_397 = arith.constant 0 : i32
    %dma_wait3A_398 = tpu.memref_slice %arg2[%dma_wait3A_396, %dma_wait3A_397] : memref<100000x128xf32, #tpu.memory_space<hbm>> -> memref<100000x128xf32, #tpu.memory_space<hbm>>
    tpu.wait_indirect_dma semaphore(%arg15 : memref<!tpu.dma_semaphore, #tpu.memory_space<semaphore_mem>>) src(%dma_wait3A_398 : memref<100000x128xf32, #tpu.memory_space<hbm>>) dst(%arg10 : memref<128x128xf32, #tpu.memory_space<vmem>>)
    %scan3A_399 = arith.constant 0 : i32
    %scan3A_400 = arith.constant 128 : i32
    %scan3A_401 = arith.addi %scan3A_399, %scan3A_400 : i32
    %scan3A_402 = arith.constant 1 : i32
    scf.for %scan3A_432 = %scan3A_399 to %scan3A_401 step %scan3A_402  : i32 {
      %mul3A_433 = arith.constant 1 : i32
      %mul3A_434 = arith.muli %scan3A_432, %mul3A_433 : i32
      %add3A_435 = arith.constant 0 : i32
      %add3A_436 = arith.addi %add3A_435, %mul3A_434 : i32
      %add3A_437 = arith.constant 128 : i32
      %add3A_438 = arith.addi %add3A_437, %add3A_436 : i32
      %get3A = arith.index_cast %add3A_436 : i32 to index
      %get3A_439 = arith.constant 0 : index
      %get3A_440 = tpu.vector_load %arg10[%get3A, %get3A_439] {strides = array<i32>} : memref<128x128xf32, #tpu.memory_space<vmem>>, vector<1x16xf32>,
      %get3A_441 = vector.shape_cast %get3A_440 : vector<1x16xf32> to vector<1x16xf32>
      %get3A_442 = arith.index_cast %add3A_438 : i32 to index
      %get3A_443 = arith.constant 0 : index
      %get3A_444 = tpu.vector_load %arg7[%get3A_442, %get3A_443] {strides = array<i32>} : memref<256x128xf32, #tpu.memory_space<vmem>>, vector<1x16xf32>,
      %get3A_445 = vector.shape_cast %get3A_444 : vector<1x16xf32> to vector<1x16xf32>
      %add3A_446 = arith.addf %get3A_441, %get3A_445 : vector<1x16xf32>
      %swap3A = arith.index_cast %add3A_436 : i32 to index
      %swap3A_447 = arith.constant 0 : index
      %swap3A_448 = tpu.vector_load %arg10[%swap3A, %swap3A_447] {strides = array<i32>} : memref<128x128xf32, #tpu.memory_space<vmem>>, vector<1x16xf32>,
      %swap3A_449 = vector.shape_cast %swap3A_448 : vector<1x16xf32> to vector<1x16xf32>
      %swap3A_450 = vector.shape_cast %add3A_446 : vector<1x16xf32> to vector<1x16xf32>
      tpu.vector_store %arg10[%swap3A, %swap3A_447], %swap3A_450 {strides = array<i32>} : memref<128x128xf32, #tpu.memory_space<vmem>>, vector<1x16xf32>,
      %add3A_451 = arith.constant 128 : i32
      %add3A_452 = arith.addi %add3A_451, %add3A_436 : i32
      %get3A_453 = arith.index_cast %add3A_436 : i32 to index
      %get3A_454 = arith.constant 16 : index
      %get3A_455 = tpu.vector_load %arg10[%get3A_453, %get3A_454] {strides = array<i32>} : memref<128x128xf32, #tpu.memory_space<vmem>>, vector<1x16xf32>,
      %get3A_456 = vector.shape_cast %get3A_455 : vector<1x16xf32> to vector<1x16xf32>
      %get3A_457 = arith.index_cast %add3A_452 : i32 to index
      %get3A_458 = arith.constant 16 : index
      %get3A_459 = tpu.vector_load %arg7[%get3A_457, %get3A_458] {strides = array<i32>} : memref<256x128xf32, #tpu.memory_space<vmem>>, vector<1x16xf32>,
      %get3A_460 = vector.shape_cast %get3A_459 : vector<1x16xf32> to vector<1x16xf32>
      %add3A_461 = arith.addf %get3A_456, %get3A_460 : vector<1x16xf32>
      %swap3A_462 = arith.index_cast %add3A_436 : i32 to index
      %swap3A_463 = arith.constant 16 : index
      %swap3A_464 = tpu.vector_load %arg10[%swap3A_462, %swap3A_463] {strides = array<i32>} : memref<128x128xf32, #tpu.memory_space<vmem>>, vector<1x16xf32>,
      %swap3A_465 = vector.shape_cast %swap3A_464 : vector<1x16xf32> to vector<1x16xf32>
      %swap3A_466 = vector.shape_cast %add3A_461 : vector<1x16xf32> to vector<1x16xf32>
      tpu.vector_store %arg10[%swap3A_462, %swap3A_463], %swap3A_466 {strides = array<i32>} : memref<128x128xf32, #tpu.memory_space<vmem>>, vector<1x16xf32>,
      %add3A_467 = arith.constant 128 : i32
      %add3A_468 = arith.addi %add3A_467, %add3A_436 : i32
      %get3A_469 = arith.index_cast %add3A_436 : i32 to index
      %get3A_470 = arith.constant 32 : index
      %get3A_471 = tpu.vector_load %arg10[%get3A_469, %get3A_470] {strides = array<i32>} : memref<128x128xf32, #tpu.memory_space<vmem>>, vector<1x16xf32>,
      %get3A_472 = vector.shape_cast %get3A_471 : vector<1x16xf32> to vector<1x16xf32>
      %get3A_473 = arith.index_cast %add3A_468 : i32 to index
      %get3A_474 = arith.constant 32 : index
      %get3A_475 = tpu.vector_load %arg7[%get3A_473, %get3A_474] {strides = array<i32>} : memref<256x128xf32, #tpu.memory_space<vmem>>, vector<1x16xf32>,
      %get3A_476 = vector.shape_cast %get3A_475 : vector<1x16xf32> to vector<1x16xf32>
      %add3A_477 = arith.addf %get3A_472, %get3A_476 : vector<1x16xf32>
      %swap3A_478 = arith.index_cast %add3A_436 : i32 to index
      %swap3A_479 = arith.constant 32 : index
      %swap3A_480 = tpu.vector_load %arg10[%swap3A_478, %swap3A_479] {strides = array<i32>} : memref<128x128xf32, #tpu.memory_space<vmem>>, vector<1x16xf32>,
      %swap3A_481 = vector.shape_cast %swap3A_480 : vector<1x16xf32> to vector<1x16xf32>
      %swap3A_482 = vector.shape_cast %add3A_477 : vector<1x16xf32> to vector<1x16xf32>
      tpu.vector_store %arg10[%swap3A_478, %swap3A_479], %swap3A_482 {strides = array<i32>} : memref<128x128xf32, #tpu.memory_space<vmem>>, vector<1x16xf32>,
      %add3A_483 = arith.constant 128 : i32
      %add3A_484 = arith.addi %add3A_483, %add3A_436 : i32
      %get3A_485 = arith.index_cast %add3A_436 : i32 to index
      %get3A_486 = arith.constant 48 : index
      %get3A_487 = tpu.vector_load %arg10[%get3A_485, %get3A_486] {strides = array<i32>} : memref<128x128xf32, #tpu.memory_space<vmem>>, vector<1x16xf32>,
      %get3A_488 = vector.shape_cast %get3A_487 : vector<1x16xf32> to vector<1x16xf32>
      %get3A_489 = arith.index_cast %add3A_484 : i32 to index
      %get3A_490 = arith.constant 48 : index
      %get3A_491 = tpu.vector_load %arg7[%get3A_489, %get3A_490] {strides = array<i32>} : memref<256x128xf32, #tpu.memory_space<vmem>>, vector<1x16xf32>,
      %get3A_492 = vector.shape_cast %get3A_491 : vector<1x16xf32> to vector<1x16xf32>
      %add3A_493 = arith.addf %get3A_488, %get3A_492 : vector<1x16xf32>
      %swap3A_494 = arith.index_cast %add3A_436 : i32 to index
      %swap3A_495 = arith.constant 48 : index
      %swap3A_496 = tpu.vector_load %arg10[%swap3A_494, %swap3A_495] {strides = array<i32>} : memref<128x128xf32, #tpu.memory_space<vmem>>, vector<1x16xf32>,
      %swap3A_497 = vector.shape_cast %swap3A_496 : vector<1x16xf32> to vector<1x16xf32>
      %swap3A_498 = vector.shape_cast %add3A_493 : vector<1x16xf32> to vector<1x16xf32>
      tpu.vector_store %arg10[%swap3A_494, %swap3A_495], %swap3A_498 {strides = array<i32>} : memref<128x128xf32, #tpu.memory_space<vmem>>, vector<1x16xf32>,
      %add3A_499 = arith.constant 128 : i32
      %add3A_500 = arith.addi %add3A_499, %add3A_436 : i32
      %get3A_501 = arith.index_cast %add3A_436 : i32 to index
      %get3A_502 = arith.constant 64 : index
      %get3A_503 = tpu.vector_load %arg10[%get3A_501, %get3A_502] {strides = array<i32>} : memref<128x128xf32, #tpu.memory_space<vmem>>, vector<1x16xf32>,
      %get3A_504 = vector.shape_cast %get3A_503 : vector<1x16xf32> to vector<1x16xf32>
      %get3A_505 = arith.index_cast %add3A_500 : i32 to index
      %get3A_506 = arith.constant 64 : index
      %get3A_507 = tpu.vector_load %arg7[%get3A_505, %get3A_506] {strides = array<i32>} : memref<256x128xf32, #tpu.memory_space<vmem>>, vector<1x16xf32>,
      %get3A_508 = vector.shape_cast %get3A_507 : vector<1x16xf32> to vector<1x16xf32>
      %add3A_509 = arith.addf %get3A_504, %get3A_508 : vector<1x16xf32>
      %swap3A_510 = arith.index_cast %add3A_436 : i32 to index
      %swap3A_511 = arith.constant 64 : index
      %swap3A_512 = tpu.vector_load %arg10[%swap3A_510, %swap3A_511] {strides = array<i32>} : memref<128x128xf32, #tpu.memory_space<vmem>>, vector<1x16xf32>,
      %swap3A_513 = vector.shape_cast %swap3A_512 : vector<1x16xf32> to vector<1x16xf32>
      %swap3A_514 = vector.shape_cast %add3A_509 : vector<1x16xf32> to vector<1x16xf32>
      tpu.vector_store %arg10[%swap3A_510, %swap3A_511], %swap3A_514 {strides = array<i32>} : memref<128x128xf32, #tpu.memory_space<vmem>>, vector<1x16xf32>,
      %add3A_515 = arith.constant 128 : i32
      %add3A_516 = arith.addi %add3A_515, %add3A_436 : i32
      %get3A_517 = arith.index_cast %add3A_436 : i32 to index
      %get3A_518 = arith.constant 80 : index
      %get3A_519 = tpu.vector_load %arg10[%get3A_517, %get3A_518] {strides = array<i32>} : memref<128x128xf32, #tpu.memory_space<vmem>>, vector<1x16xf32>,
      %get3A_520 = vector.shape_cast %get3A_519 : vector<1x16xf32> to vector<1x16xf32>
      %get3A_521 = arith.index_cast %add3A_516 : i32 to index
      %get3A_522 = arith.constant 80 : index
      %get3A_523 = tpu.vector_load %arg7[%get3A_521, %get3A_522] {strides = array<i32>} : memref<256x128xf32, #tpu.memory_space<vmem>>, vector<1x16xf32>,
      %get3A_524 = vector.shape_cast %get3A_523 : vector<1x16xf32> to vector<1x16xf32>
      %add3A_525 = arith.addf %get3A_520, %get3A_524 : vector<1x16xf32>
      %swap3A_526 = arith.index_cast %add3A_436 : i32 to index
      %swap3A_527 = arith.constant 80 : index
      %swap3A_528 = tpu.vector_load %arg10[%swap3A_526, %swap3A_527] {strides = array<i32>} : memref<128x128xf32, #tpu.memory_space<vmem>>, vector<1x16xf32>,
      %swap3A_529 = vector.shape_cast %swap3A_528 : vector<1x16xf32> to vector<1x16xf32>
      %swap3A_530 = vector.shape_cast %add3A_525 : vector<1x16xf32> to vector<1x16xf32>
      tpu.vector_store %arg10[%swap3A_526, %swap3A_527], %swap3A_530 {strides = array<i32>} : memref<128x128xf32, #tpu.memory_space<vmem>>, vector<1x16xf32>,
      %add3A_531 = arith.constant 128 : i32
      %add3A_532 = arith.addi %add3A_531, %add3A_436 : i32
      %get3A_533 = arith.index_cast %add3A_436 : i32 to index
      %get3A_534 = arith.constant 96 : index
      %get3A_535 = tpu.vector_load %arg10[%get3A_533, %get3A_534] {strides = array<i32>} : memref<128x128xf32, #tpu.memory_space<vmem>>, vector<1x16xf32>,
      %get3A_536 = vector.shape_cast %get3A_535 : vector<1x16xf32> to vector<1x16xf32>
      %get3A_537 = arith.index_cast %add3A_532 : i32 to index
      %get3A_538 = arith.constant 96 : index
      %get3A_539 = tpu.vector_load %arg7[%get3A_537, %get3A_538] {strides = array<i32>} : memref<256x128xf32, #tpu.memory_space<vmem>>, vector<1x16xf32>,
      %get3A_540 = vector.shape_cast %get3A_539 : vector<1x16xf32> to vector<1x16xf32>
      %add3A_541 = arith.addf %get3A_536, %get3A_540 : vector<1x16xf32>
      %swap3A_542 = arith.index_cast %add3A_436 : i32 to index
      %swap3A_543 = arith.constant 96 : index
      %swap3A_544 = tpu.vector_load %arg10[%swap3A_542, %swap3A_543] {strides = array<i32>} : memref<128x128xf32, #tpu.memory_space<vmem>>, vector<1x16xf32>,
      %swap3A_545 = vector.shape_cast %swap3A_544 : vector<1x16xf32> to vector<1x16xf32>
      %swap3A_546 = vector.shape_cast %add3A_541 : vector<1x16xf32> to vector<1x16xf32>
      tpu.vector_store %arg10[%swap3A_542, %swap3A_543], %swap3A_546 {strides = array<i32>} : memref<128x128xf32, #tpu.memory_space<vmem>>, vector<1x16xf32>,
      %add3A_547 = arith.constant 128 : i32
      %add3A_548 = arith.addi %add3A_547, %add3A_436 : i32
      %get3A_549 = arith.index_cast %add3A_436 : i32 to index
      %get3A_550 = arith.constant 112 : index
      %get3A_551 = tpu.vector_load %arg10[%get3A_549, %get3A_550] {strides = array<i32>} : memref<128x128xf32, #tpu.memory_space<vmem>>, vector<1x16xf32>,
      %get3A_552 = vector.shape_cast %get3A_551 : vector<1x16xf32> to vector<1x16xf32>
      %get3A_553 = arith.index_cast %add3A_548 : i32 to index
      %get3A_554 = arith.constant 112 : index
      %get3A_555 = tpu.vector_load %arg7[%get3A_553, %get3A_554] {strides = array<i32>} : memref<256x128xf32, #tpu.memory_space<vmem>>, vector<1x16xf32>,
      %get3A_556 = vector.shape_cast %get3A_555 : vector<1x16xf32> to vector<1x16xf32>
      %add3A_557 = arith.addf %get3A_552, %get3A_556 : vector<1x16xf32>
      %swap3A_558 = arith.index_cast %add3A_436 : i32 to index
      %swap3A_559 = arith.constant 112 : index
      %swap3A_560 = tpu.vector_load %arg10[%swap3A_558, %swap3A_559] {strides = array<i32>} : memref<128x128xf32, #tpu.memory_space<vmem>>, vector<1x16xf32>,
      %swap3A_561 = vector.shape_cast %swap3A_560 : vector<1x16xf32> to vector<1x16xf32>
      %swap3A_562 = vector.shape_cast %add3A_557 : vector<1x16xf32> to vector<1x16xf32>
      tpu.vector_store %arg10[%swap3A_558, %swap3A_559], %swap3A_562 {strides = array<i32>} : memref<128x128xf32, #tpu.memory_space<vmem>>, vector<1x16xf32>,
    }
    %scan3A_403 = arith.constant 128 : i32
    %add3A_404 = arith.constant 24576 : i32
    %add3A_405 = arith.addi %add3A_404, %mul3A_2 : i32
    %add3A_406 = arith.constant 128 : i32
    %add3A_407 = arith.addi %add3A_405, %add3A_406 : i32
    %dma_start3A_408 = arith.constant 0 : i32
    %dma_start3A_409 = tpu.memref_slice %arg5[%add3A_407, %dma_start3A_408] : memref<32768x128xf32, #tpu.memory_space<hbm>> -> memref<128x128xf32, #tpu.memory_space<hbm>>
    %dma_start3A_410 = arith.constant 0 : i32
    %dma_start3A_411 = tpu.memref_slice %arg5[%add3A_407, %dma_start3A_410] : memref<32768x128xf32, #tpu.memory_space<hbm>> -> memref<128x128xf32, #tpu.memory_space<hbm>>
    tpu.enqueue_dma source(%arg10 : memref<128x128xf32, #tpu.memory_space<vmem>>) target(%dma_start3A_411 : memref<128x128xf32, #tpu.memory_space<hbm>>) target_semaphore(%arg20 : memref<!tpu.dma_semaphore, #tpu.memory_space<semaphore_mem>>)
    %dma_wait3A_412 = arith.constant 0 : i32
    %dma_wait3A_413 = tpu.memref_slice %arg5[%add3A_367, %dma_wait3A_412] : memref<32768x128xf32, #tpu.memory_space<hbm>> -> memref<128x128xf32, #tpu.memory_space<hbm>>
    %dma_wait3A_414 = arith.constant 0 : i32
    %dma_wait3A_415 = tpu.memref_slice %arg5[%add3A_367, %dma_wait3A_414] : memref<32768x128xf32, #tpu.memory_space<hbm>> -> memref<128x128xf32, #tpu.memory_space<hbm>>
    tpu.wait_dma2 semaphore(%arg18 : memref<!tpu.dma_semaphore, #tpu.memory_space<semaphore_mem>>) src(%arg8 : memref<128x128xf32, #tpu.memory_space<vmem>>) dst(%dma_wait3A_415 : memref<128x128xf32, #tpu.memory_space<hbm>>)
    %dma_wait3A_416 = arith.constant 0 : i32
    %dma_wait3A_417 = tpu.memref_slice %arg5[%add3A_387, %dma_wait3A_416] : memref<32768x128xf32, #tpu.memory_space<hbm>> -> memref<128x128xf32, #tpu.memory_space<hbm>>
    %dma_wait3A_418 = arith.constant 0 : i32
    %dma_wait3A_419 = tpu.memref_slice %arg5[%add3A_387, %dma_wait3A_418] : memref<32768x128xf32, #tpu.memory_space<hbm>> -> memref<128x128xf32, #tpu.memory_space<hbm>>
    tpu.wait_dma2 semaphore(%arg19 : memref<!tpu.dma_semaphore, #tpu.memory_space<semaphore_mem>>) src(%arg9 : memref<128x128xf32, #tpu.memory_space<vmem>>) dst(%dma_wait3A_419 : memref<128x128xf32, #tpu.memory_space<hbm>>)
    %dma_wait3A_420 = arith.constant 0 : i32
    %dma_wait3A_421 = tpu.memref_slice %arg5[%add3A_407, %dma_wait3A_420] : memref<32768x128xf32, #tpu.memory_space<hbm>> -> memref<128x128xf32, #tpu.memory_space<hbm>>
    %dma_wait3A_422 = arith.constant 0 : i32
    %dma_wait3A_423 = tpu.memref_slice %arg5[%add3A_407, %dma_wait3A_422] : memref<32768x128xf32, #tpu.memory_space<hbm>> -> memref<128x128xf32, #tpu.memory_space<hbm>>
    tpu.wait_dma2 semaphore(%arg20 : memref<!tpu.dma_semaphore, #tpu.memory_space<semaphore_mem>>) src(%arg10 : memref<128x128xf32, #tpu.memory_space<vmem>>) dst(%dma_wait3A_423 : memref<128x128xf32, #tpu.memory_space<hbm>>)
    %dma_wait3A_424 = arith.constant 0 : i32
    %dma_wait3A_425 = tpu.memref_slice %arg5[%add3A_316, %dma_wait3A_424] : memref<32768x128xf32, #tpu.memory_space<hbm>> -> memref<128x128xf32, #tpu.memory_space<hbm>>
    %dma_wait3A_426 = arith.constant 0 : i32
    %dma_wait3A_427 = tpu.memref_slice %arg5[%add3A_316, %dma_wait3A_426] : memref<32768x128xf32, #tpu.memory_space<hbm>> -> memref<128x128xf32, #tpu.memory_space<hbm>>
    tpu.wait_dma2 semaphore(%arg21 : memref<!tpu.dma_semaphore, #tpu.memory_space<semaphore_mem>>) src(%arg11 : memref<128x128xf32, #tpu.memory_space<vmem>>) dst(%dma_wait3A_427 : memref<128x128xf32, #tpu.memory_space<hbm>>)
    %dma_wait3A_428 = arith.constant 0 : i32
    %dma_wait3A_429 = tpu.memref_slice %arg5[%add3A_347, %dma_wait3A_428] : memref<32768x128xf32, #tpu.memory_space<hbm>> -> memref<128x128xf32, #tpu.memory_space<hbm>>
    %dma_wait3A_430 = arith.constant 0 : i32
    %dma_wait3A_431 = tpu.memref_slice %arg5[%add3A_347, %dma_wait3A_430] : memref<32768x128xf32, #tpu.memory_space<hbm>> -> memref<128x128xf32, #tpu.memory_space<hbm>>
    tpu.wait_dma2 semaphore(%arg22 : memref<!tpu.dma_semaphore, #tpu.memory_space<semaphore_mem>>) src(%arg12 : memref<128x128xf32, #tpu.memory_space<vmem>>) dst(%dma_wait3A_431 : memref<128x128xf32, #tpu.memory_space<hbm>>)
    return
  }
}

module attributes {stable_mosaic.version = 14 : i64} {
  func.func @_combine_body(%arg0: memref<8192x128xf32, #tpu.memory_space<vmem>>, %arg1: memref<2x128xf32, #tpu.memory_space<vmem>>, %arg2: memref<8192x128xf32, #tpu.memory_space<vmem>>) attributes {dimension_semantics = [], scalar_prefetch = 0 : i64, scratch_operands = 0 : i64, tpu.core_type = #tpu.core_type<tc>} {
    %get3A = arith.constant 0 : index
    %get3A_0 = arith.constant 0 : index
    %get3A_1 = vector.load %arg0[%get3A, %get3A_0] : memref<8192x128xf32, #tpu.memory_space<vmem>>, vector<8192x128xf32>
    %get3A_2 = arith.constant 0 : index
    %get3A_3 = arith.constant 0 : index
    %get3A_4 = vector.load %arg1[%get3A_2, %get3A_3] : memref<2x128xf32, #tpu.memory_space<vmem>>, vector<1x128xf32>
    %get3A_5 = vector.shape_cast %get3A_4 : vector<1x128xf32> to vector<128xf32>
    %broadcast_in_dim3A = vector.shape_cast %get3A_5 : vector<128xf32> to vector<1x128xf32>
    %add3A = vector.broadcast %broadcast_in_dim3A : vector<1x128xf32> to vector<8192x128xf32>
    %add3A_6 = arith.addf %get3A_1, %add3A : vector<8192x128xf32>
    %swap3A = arith.constant 0 : index
    %swap3A_7 = arith.constant 0 : index
    %swap3A_8 = vector.load %arg2[%swap3A, %swap3A_7] : memref<8192x128xf32, #tpu.memory_space<vmem>>, vector<8192x128xf32>
    tpu.vector_store %arg2[%swap3A, %swap3A_7], %add3A_6 {strides = array<i32>} : memref<8192x128xf32, #tpu.memory_space<vmem>>, vector<8192x128xf32>,
    return
  }
}

</mosaic_0001>

<sc_bundles>
// kernel: kernel.4.cloned.1.call-start
scs
__scs_entry_jumppad:
0x0: {  	(pc) =	sbr.rel $0x88, $3  }
0x1: {  	(tag) =	ssettag $0x0;
	lr =	simm.s32 $0x1  }
0x2: {  	[smem:$0x3F9D] =	sst lr;
	_ =	strace $0xD0000000  }
0x3: {  	_ = 	snop  }
0x4: {  	_ = 	snop  }
0x5: {  	_ = 	snop  }
0x6: {  	_ = 	snop  }
0x7: {  	_ = 	snop  }
__scs_overlays_trampoline_lowered:
0x8: {  	[smem:$0x3FAC] =	sst s0  }
0x9: {  	[smem:$0x3FAD] =	sst s1  }
0xa: {  	[smem:$0x3FAE] =	sst s2  }
0xb: {  	[smem:$0x3FAF] =	sst s3  }
0xc: {  	[smem:$0x3FB0] =	sst s4  }
0xd: {  	[smem:$0x3FB1] =	sst s5  }
0xe: {  	[smem:$0x3FB2] =	sst s6  }
0xf: {  	[smem:$0x3FB3] =	sst s7  }
0x10: {  	[smem:$0x3FB4] =	sst s8  }
0x11: {  	[smem:$0x3FB5] =	sst s9;
	s0 =	simm.s32 @!p0 $0x0  }
0x12: {  	s1 =	sld [smem:$0x3F9B];
	s0 =	simm.s32 @p0 $0x1  }
0x13: {  	[smem:$0x3FB6] =	sst s0;
	s0 =	simm.s32 @!p1 $0x0  }
0x14: {  	s2 =	sld [smem:$0x3F9A];
	s0 =	simm.s32 @p1 $0x1  }
0x15: {  	[smem:$0x3FB7] =	sst s0;
	s0 =	simm.s32 @!p2 $0x0  }
0x16: {  	s3 =	sld [smem:$0x3FDB];
	s0 =	simm.s32 @p2 $0x1  }
0x17: {  	s4 =	simm.s32 $0x1BF5;
	[smem:$0x3FB9] =	sst s0  }
0x18: {  	s0 =	sld [smem:$0x3F9C];
	_ =	swait.ge [sflag:s4], $0x0  }
0x19: {  	s7 =	sld [smem:$0x3F9D]  }
0x1a: {  	s8 =	sadd.s32 $0xFFFFE003, lr  }
0x1b: {  	s9 =	sadd.s32 $0xFFFFFEF7, lr;
	s5 =	simm.s32 $0xFFFFFFFF;
	p2 =	slt.u32 s8, $0xFFFFF086  }
0x1c: {  	p1 =	slt.u32 s9, $0xF7A;
	s5 =	simm.s32 @!p2 $0x0  }
0x1d: {  	s5 =	simm.s32 @p1 $0x1;
	p0 =	seq.s32 s7, s2  }
0x1e: {  	s7 =	smul.u32 @!p0 $0xF7A, s2;
	p2 =	seq.s32 @!p0 s5, $0x0  }
0x1f: {  	s9 =	smul.u32 $0xF7A, s1;
	s8 =	simm.s32 @!p0 $0x1BF5;
	p2 =	por !p2, p0  }
0x20: {  	[sflag:s8] =	ssyncset.s32 @!p0 $0xFFFFF086;
	s6 =	sadd.s32 @!p0 s3, s7;
	s7 =	simm.s32 @!p0 $0x108  }
0x21: {  	s3 =	sadd.s32 s3, s9;
	s6 =	sadd.s32 @!p0 $0x88, s6;
	s7 =	simm.s32 @p2 $0x1082  }
0x22: {  	[simem:s7], [sflag:s8] =	dma.local @!p0 [hbm:s6], $0xF7A  }
0x23: {  	s9 =	sor.u32 $0xD0000000, s2;
	s6 =	simm.s32 $0x108;
	_ =	swait.ge @!p0 [sflag:s8], $0x0  }
0x24: {  	s3 =	sadd.s32 $0x88, s3;
	s6 =	simm.s32 @!p1 $0x1082;
	[sflag:s4] =	ssyncset.s32 $0xFFFFF086  }
0x25: {  	[simem:s6], [sflag:s4] =	dma.local [hbm:s3], $0xF7A  }
0x26: {  	[smem:$0x3F9D] =	sst s1;
	(tag) =	ssettag s2;
	_ =	strace s9  }
0x27: {  	s1 =	sld [smem:$0x3FAD]  }
0x28: {  	s2 =	sld [smem:$0x3FAE]  }
0x29: {  	s4 =	sld [smem:$0x3FB0]  }
0x2a: {  	p0 =	seq.s32 s5, $0x0;
	s5 =	sld [smem:$0x3FB1]  }
0x2b: {  	s6 =	sld [smem:$0x3FB2]  }
0x2c: {  	s7 =	sld [smem:$0x3FB3]  }
0x2d: {  	s3 =	simm.s32 $0x108;
	s8 =	sld [smem:$0x3FB4]  }
0x2e: {  	s3 =	simm.s32 @!p0 $0x1082;
	s9 =	sld [smem:$0x3FB5]  }
0x2f: {  	lr =	sadd.s32 s0, s3;
	s0 =	sld [smem:$0x3FAC]  }
0x30: {  	s3 =	sld [smem:$0x3FAF]  }
0x31: {  	[smem:$0x3FB8] =	sst s10  }
0x32: {  	s10 =	sld [smem:$0x3FB6];
	_ =	sdelay $0x3  }
0x33: {  	p0 =	seq.s32 s10, $0x1;
	s10 =	sld [smem:$0x3FB8];
	_ =	sdelay $0x3  }
0x34: {  	[smem:$0x3FB8] =	sst s10  }
0x35: {  	s10 =	sld [smem:$0x3FB7];
	_ =	sdelay $0x3  }
0x36: {  	p1 =	seq.s32 s10, $0x1;
	s10 =	sld [smem:$0x3FB8];
	_ =	sdelay $0x3  }
0x37: {  	[smem:$0x3FB8] =	sst s10  }
0x38: {  	s10 =	sld [smem:$0x3FB9]  }
0x39: {  	_ = 	snop;
	(pc) =	sbr.ind lr, $3  }
0x3a: {  	_ = 	snop  }
0x3b: {  	_ = 	snop  }
0x3c: {  	p2 =	seq.s32 s10, $0x1;
	s10 =	sld [smem:$0x3FB8]  }
0x3d: {  	_ =	shalt  }
0x3e: {  	_ =	shalt  }
0x3f: {  	_ =	shalt  }
0x40: {  	_ =	shalt  }
0x41: {  	_ =	shalt  }
0x42: {  	_ =	shalt  }
0x43: {  	_ =	shalt  }
0x44: {  	_ =	shalt  }
0x45: {  	_ =	shalt  }
0x46: {  	_ =	shalt  }
0x47: {  	_ =	shalt  }
0x48: {  	_ =	shalt  }
0x49: {  	_ =	shalt  }
0x4a: {  	_ =	shalt  }
0x4b: {  	_ =	shalt  }
0x4c: {  	_ =	shalt  }
0x4d: {  	_ =	shalt  }
0x4e: {  	_ =	shalt  }
0x4f: {  	_ =	shalt  }
0x50: {  	_ =	shalt  }
0x51: {  	_ =	shalt  }
0x52: {  	_ =	shalt  }
0x53: {  	_ =	shalt  }
0x54: {  	_ =	shalt  }
0x55: {  	_ =	shalt  }
0x56: {  	_ =	shalt  }
0x57: {  	_ =	shalt  }
0x58: {  	_ =	shalt  }
0x59: {  	_ =	shalt  }
0x5a: {  	_ =	shalt  }
0x5b: {  	_ =	shalt  }
0x5c: {  	_ =	shalt  }
0x5d: {  	_ =	shalt  }
0x5e: {  	_ =	shalt  }
0x5f: {  	_ =	shalt  }
0x60: {  	_ =	shalt  }
0x61: {  	_ =	shalt  }
0x62: {  	_ =	shalt  }
0x63: {  	_ =	shalt  }
0x64: {  	_ =	shalt  }
0x65: {  	_ =	shalt  }
0x66: {  	_ =	shalt  }
0x67: {  	_ =	shalt  }
0x68: {  	_ =	shalt  }
0x69: {  	_ =	shalt  }
0x6a: {  	_ =	shalt  }
0x6b: {  	_ =	shalt  }
0x6c: {  	_ =	shalt  }
0x6d: {  	_ =	shalt  }
0x6e: {  	_ =	shalt  }
0x6f: {  	_ =	shalt  }
0x70: {  	_ =	shalt  }
0x71: {  	_ =	shalt  }
0x72: {  	_ =	shalt  }
0x73: {  	_ =	shalt  }
0x74: {  	_ =	shalt  }
0x75: {  	_ =	shalt  }
0x76: {  	_ =	shalt  }
0x77: {  	_ =	shalt  }
0x78: {  	_ =	shalt  }
0x79: {  	_ =	shalt  }
0x7a: {  	_ =	shalt  }
0x7b: {  	_ =	shalt  }
0x7c: {  	_ =	shalt  }
0x7d: {  	_ =	shalt  }
0x7e: {  	_ =	shalt  }
0x7f: {  	_ =	shalt  }
0x80: {  	_ =	shalt  }
0x81: {  	_ =	shalt  }
0x82: {  	_ =	shalt  }
0x83: {  	_ =	shalt  }
0x84: {  	_ =	shalt  }
0x85: {  	_ =	shalt  }
0x86: {  	_ =	shalt  }
0x87: {  	_ =	shalt  }
.Lfunc_end0:
.L_simem_size_0:
called_computation_lowered:
.L_overlay_start_0:
0x88: {  	s2 =	sld [smem:$0x3FD9]  }
0x89: {  	s3 =	sld [smem:$0x3FFE];
	_ =	sdelay $0x1  }
0x8a: {  	s1 =	srdreg.scid  }
0x8b: {  	s0 =	sand.u32 $0x1, s1  }
0x8c: {  	s17 =	sshll.u32 s0, $0xA;
	s2 =	sadd.s32 s3, s2  }
0x8d: {  	s2 =	sadd.s32 s2, s17  }
0x8e: {  	[smem:$0x3FC4] =	sst s2  }
0x8f: {  	_ = 	snop  }
0x90: {  	s2 =	sld [smem:$0x3FC8]  }
0x91: {  	s18 =	sld [smem:$0x3FD0];
	(tm) =	ssettm $0x1  }
0x92: {  	s4 =	sld [smem:$0x3FFB];
	_ =	sdelay $0x3  }
0x93: {  	_ =	strace s4  }
0x94: {  	s4 =	sld [smem:$0x3FFC];
	_ =	sdelay $0x3  }
0x95: {  	_ =	strace s4  }
0x96: {  	s4 =	sld [smem:$0x3FFD];
	_ =	sdelay $0x3  }
0x97: {  	_ =	strace s4  }
0x98: {  	_ =	strace $0x8FFFFFFF  }
0x99: {  	s19 =	sld [smem:$0x3FDB];
	_ =	sdelay $0x1  }
0x9a: {  	s5 =	simm.s32 $_scs_section_size  }
0x9b: {  	s6 =	simm.s32 $_size__tile_overlayer_lowered;
	s7 =	simm.s32 $_tile_overlayer_lowered  }
0x9c: {  	s22 =	simm.s32 $0x1BFF;
	s21 =	sshll.u32 s7, $0x1;
	s4 =	sadd.s32 s5, s19  }
0x9d: {  	s8 =	simm.s32 $0x0;
	s20 =	sshll.u32 s6, $0x1;
	s6 =	sadd.s32 s21, s4  }
0x9e: {  	[timem:s8], [sflag:s22] =	dma.local [hbm:s6], s20  }
0x9f: {  	_ =	swait.ge [sflag:s22], s20  }
0xa0: {  	s5 =	ssub.s32 $0x0, s20;
	[sflag:s22] =	ssyncset.done $0x0  }
0xa1: {  	[sflag:s22] =	ssyncadd.s32 s5;
	_ =	sdelay $0x1  }
0xa2: {  	s23 =	simm.s32 $0x1B8B  }
0xa3: {  	_ =	swait.ge [sflag:s23], $0x1  }
0xa4: {  	[sflag:s23] =	ssyncset.done $0x0  }
0xa5: {  	s25 =	simm.s32 $0x1B8E;
	s24 =	sld [smem:$0x3FFE];
	[sflag:s23] =	ssyncadd.s32 $0xFFFFFFFF  }
0xa6: {  	s26 =	simm.s32 $execute0_lowered;
	[smem:$0x3FD2] =	sst s25  }
0xa7: {  	s6 =	sshll.u32 s26, $0x1;
	_ =	strace $0x80000046;
	[dreg:$0x1] =	wrdreg $0xFFFFFFFF  }
0xa8: {  	s28 =	simm.s32 $_size_execute0_lowered;
	s4 =	sadd.s32 s4, s6;
	[dreg:$0x0] =	wrdreg $0x0  }
0xa9: {  	s6 =	sshll.u32 s28, $0x1;
	[dreg:$0x2] =	wrdreg s4  }
0xaa: {  	[dreg:$0x3] =	wrdreg s6  }
0xab: {  	[dreg:$0x4] =	wrdreg $0xC0  }
0xac: {  	_ =	task [dreg:s8], $0x5FFFF  }
0xad: {  	[dreg:$0x1] =	wrdreg $0xFFFFFFFF  }
0xae: {  	[dreg:$0x0] =	wrdreg $0x60  }
0xaf: {  	[dreg:$0x2] =	wrdreg s2  }
0xb0: {  	[dreg:$0x3] =	wrdreg s24  }
0xb1: {  	[dreg:$0x4] =	wrdreg s18  }
0xb2: {  	[dreg:$0x5] =	wrdreg $0x9  }
0xb3: {  	_ =	task.clear_ibuf [dreg:s8], $0x6FFFF;
	_ =	strace $0x90000046  }
0xb4: {  	s29 =	simm.s32 $0x9;
	_ =	strace $0x80000048  }
0xb5: {  	_ =	swait.ge [sflag:s29], $0x1  }
0xb6: {  	[sflag:s29] =	ssyncadd.s32 $0xFFFFFFFF  }
0xb7: {  	_ =	strace $0x90000048  }
0xb8: {  	_ =	sfence  }
0xb9: {  	s30 =	sld [smem:$0x0];
	_ =	sdelay $0x2  }
0xba: {  	s31 =	sshll.u32 s1, $0xD;
	s1 =	sshrl.u32 s1, $0x2  }
0xbb: {  	s3 =	sand.u32 $0x4000, s31;
	s1 =	sadd.s32 s1, s30  }
0xbc: {  	s0 =	sor.u32 s3, s0;
	s1 =	sshll.u32 s1, $0x11  }
0xbd: {  	s0 =	sor.u32 s1, s0  }
0xbe: {  	s0 =	sadd.s32 $0x8F2B, s0  }
0xbf: {  	[sflag:s0] =	ssyncadd.remote.s32 $0x1  }
0xc0: {  	_ =	sfence.sel $0xFFFF  }
0xc1: {  	[dreg:$0x0] =	wrdreg $0xFFFFFFFF;
	(pc) =	sbr.abs _section_cstart, $3  }
0xc2: {  	[dreg:$0x1] =	wrdreg $0xFFFFFFFF  }
0xc3: {  	_ =	task.clear_ibuf [dreg:s8], $0x2FFFF;
	_ =	strace $0x9FFFFFFF  }
0xc4: {  	(tm) =	ssettm $0x7FFFFFFF  }
0xc5: {  	_ =	shalt  }
tec
execute0_lowered:
.L_overlay_start_1:
0x0: {  	(tag) =	ssettag $0x1  }
0x1: {  	s1 =	rddreg [dreg:$0x0]  }
0x2: {  	s0 =	rddreg [dreg:$0x1]  }
0x3: {  	s2 =	rddreg [dreg:$0x2];
	s4 =	srdreg.scid;
	s3 =	simm.s32 $0x0  }
0x4: {  	s5 =	stileid.u32;
	s29 =	simm.s32 $0x380;
	s31 =	simm.s32 $0xC  }
0x5: {  	s30 =	simm.s32 $0x10400;
	s4 =	sand.u32 $0x1, s4;
	[smem:$0x7FF] =	sst s3  }
0x6: {  	s5 =	sshll.u32 s5, $0x9;
	s20 =	sadd.s32 $0xA00, s0;
	s6 =	sshll.u32 s4, $0x8  }
0x7: {  	_ =	strace $0x80000047;
	s4 =	ssub.s32 $0x2, s4;
	s5 =	sor.u32 s6, s5  }
0x8: {  	s8 =	sshrl.u32 s4, $0x1;
	s7 =	sshll.u32 s5, $0x4;
	s9 =	sor.u32 $0x80, s5  }
0x9: {  	s4 =	ssub.s32 s4, s8;
	s21 =	sshrl.u32 s5, $0x3;
	s23 =	sor.u32 $0x2000, s5  }
0xa: {  	s11 =	sor.u32 $0x2080, s5;
	s12 =	sor.u32 $0x4000, s5;
	s28 =	sor.u32 $0x4080, s5  }
0xb: {  	s14 =	sor.u32 $0x6000, s5;
	s5 =	sor.u32 $0x6080, s5;
	s0 =	sadd.s32 s7, s0  }
0xc: {  	s10 =	sshrl.u32 s9, $0x3;
	s8 =	sadd.s32 s20, s21;
	s24 =	sshrl.u32 s23, $0x3  }
0xd: {  	s25 =	sshrl.u32 s11, $0x3;
	s13 =	sshrl.u32 s12, $0x3;
	s16 =	sshrl.u32 s28, $0x3  }
0xe: {  	s17 =	sshrl.u32 s14, $0x3;
	s15 =	sshrl.u32 s5, $0x3;
	s18 =	sshll.u32 s9, $0x4  }
0xf: {  	s19 =	sadd.s32 s2, s7;
	s21 =	sshll.u32 s23, $0x4;
	[dreg:$0x4] =	wrdreg s8  }
0x10: {  	s23 =	sshll.u32 s12, $0x4;
	s22 =	sadd.s32 s20, s10;
	[dreg:$0xd] =	wrdreg s19  }
0x11: {  	s5 =	sshll.u32 s5, $0x4;
	s10 =	sadd.s32 s20, s24;
	[dreg:$0x5] =	wrdreg s22  }
0x12: {  	s7 =	simm.s32 $0x18400;
	s26 =	sadd.s32 s20, s13;
	[dreg:$0x6] =	wrdreg s10  }
0x13: {  	s9 =	simm.s32 $0x6;
	s13 =	sadd.s32 s20, s16;
	[dreg:$0x8] =	wrdreg s26  }
0x14: {  	s12 =	simm.s32 $0x4;
	s6 =	sadd.s32 s20, s15;
	[dreg:$0x9] =	wrdreg s13  }
0x15: {  	s0 =	sadd.s32 $0x1A00, s0;
	s8 =	simm.s32 $0x2;
	[dreg:$0xb] =	wrdreg s6  }
0x16: {  	s10 =	sadd.s32 s20, s25;
	s13 =	sadd.s32 s20, s17;
	[dreg:$0xc] =	wrdreg s0  }
0x17: {  	s20 =	sadd.s32 s2, s18;
	s22 =	sshll.u32 s11, $0x4;
	s0 =	sadd.s32 s2, s21  }
0x18: {  	s25 =	sadd.s32 s2, s23;
	s26 =	sshll.u32 s28, $0x4;
	[dreg:$0x7] =	wrdreg s10  }
0x19: {  	s28 =	sshll.u32 s14, $0x4;
	s21 =	smax.u32 s4, $0x1;
	[dreg:$0xa] =	wrdreg s13  }
0x1a: {  	s4 =	simm.s32 $0x14400;
	s6 =	simm.s32 $0x1;
	[dreg:$0xe] =	wrdreg s20  }
0x1b: {  	s11 =	simm.s32 $0x7;
	s14 =	simm.s32 $0x5;
	[dreg:$0xf] =	wrdreg s0  }
0x1c: {  	s23 =	simm.s32 $0x9;
	s24 =	sadd.s32 s2, s22;
	[dreg:$0x11] =	wrdreg s25  }
0x1d: {  	s18 =	sadd.s32 s2, s26;
	s19 =	sadd.s32 s2, s28;
	s20 =	sadd.s32 s2, s5  }
0x1e: {  	s22 =	simm.s32 $0x80;
	s0 =	simm.s32 $0x8400;
	s2 =	simm.s32 $0xC400  }
0x1f: {  	s5 =	simm.s32 $0xB;
	s10 =	simm.s32 $0x3;
	s13 =	simm.s32 $0x8  }
0x20: {  	s25 =	simm.s32 $0x0;
	[dreg:$0x10] =	wrdreg s24;
	s24 =	simm.s32 $0xA  }
.LBB2_1:
0x21: {  	s15 =	rddreg [dreg:$0x4]  }
0x22: {  	[tilespmem:s3], [sflag:$0xC] =	stream.linear.gather [hbm4b:s15+s3], $0x80, $0x38;
	[tilespmem:$0x1C400] =	vst v63  }
0x23: {  	s17 =	rddreg [dreg:$0x5]  }
0x24: {  	[tilespmem:s22], [sflag:$0xC] =	stream.linear.gather [hbm4b:s17+s3], $0x80, $0x38;
	[tilespmem:$0x1C400] =	vst v63  }
0x25: {  	s26 =	rddreg [dreg:$0x6];
	s16 =	simm.s32 $0x100  }
0x26: {  	[tilespmem:s16], [sflag:$0xC] =	stream.linear.gather [hbm4b:s26+s3], $0x80, $0x38;
	[tilespmem:$0x1C400] =	vst v63  }
0x27: {  	s17 =	rddreg [dreg:$0x7];
	s26 =	simm.s32 $0x180  }
0x28: {  	[tilespmem:s26], [sflag:$0xC] =	stream.linear.gather [hbm4b:s17+s3], $0x80, $0x38;
	[tilespmem:$0x1C400] =	vst v63  }
0x29: {  	s28 =	simm.s32 $0x200;
	s17 =	rddreg [dreg:$0x8]  }
0x2a: {  	[tilespmem:s28], [sflag:$0xC] =	stream.linear.gather [hbm4b:s17+s3], $0x80, $0x38;
	[tilespmem:$0x1C400] =	vst v63  }
0x2b: {  	s28 =	simm.s32 $0x280;
	s17 =	rddreg [dreg:$0x9]  }
0x2c: {  	[tilespmem:s28], [sflag:$0xC] =	stream.linear.gather [hbm4b:s17+s3], $0x80, $0x38;
	[tilespmem:$0x1C400] =	vst v63  }
0x2d: {  	s15 =	rddreg [dreg:$0xa];
	s17 =	simm.s32 $0x300  }
0x2e: {  	[tilespmem:s17], [sflag:$0xC] =	stream.linear.gather [hbm4b:s15+s3], $0x80, $0x38;
	[tilespmem:$0x1C400] =	vst v63  }
0x2f: {  	s17 =	rddreg [dreg:$0xb]  }
0x30: {  	[tilespmem:s29], [sflag:$0xC] =	stream.linear.gather [hbm4b:s17+s3], $0x80, $0x38;
	[tilespmem:$0x1C400] =	vst v63  }
0x31: {  	s15 =	rddreg [dreg:$0xc];
	s17 =	simm.s32 $0x400  }
0x32: {  	[tilespmem:s17], [sflag:$0xB] =	stream.linear.gather [hbm4b:s15+s3], $0x8000, $0x38;
	[tilespmem:$0x1C400] =	vst v63  }
0x33: {  	_ =	swait.ge [sflag:s31], $0x80  }
0x34: {  	[sflag:s31] =	ssyncset.done $0x0  }
0x35: {  	[sflag:s31] =	ssyncadd.s32 $0xFFFFFF80  }
0x36: {  	_ =	swait.ge [sflag:s31], $0x80  }
0x37: {  	[sflag:s31] =	ssyncset.done $0x0  }
0x38: {  	[sflag:s31] =	ssyncadd.s32 $0xFFFFFF80  }
0x39: {  	_ =	swait.ge [sflag:s31], $0x80  }
0x3a: {  	[sflag:s31] =	ssyncset.done $0x0  }
0x3b: {  	[sflag:s31] =	ssyncadd.s32 $0xFFFFFF80  }
0x3c: {  	_ =	swait.ge [sflag:s31], $0x80  }
0x3d: {  	[sflag:s31] =	ssyncset.done $0x0  }
0x3e: {  	[sflag:s31] =	ssyncadd.s32 $0xFFFFFF80  }
0x3f: {  	_ =	swait.ge [sflag:s31], $0x80  }
0x40: {  	[sflag:s31] =	ssyncset.done $0x0  }
0x41: {  	[sflag:s31] =	ssyncadd.s32 $0xFFFFFF80  }
0x42: {  	_ =	swait.ge [sflag:s31], $0x80  }
0x43: {  	[sflag:s31] =	ssyncset.done $0x0  }
0x44: {  	[sflag:s31] =	ssyncadd.s32 $0xFFFFFF80  }
0x45: {  	_ =	swait.ge [sflag:s31], $0x80  }
0x46: {  	[sflag:s31] =	ssyncset.done $0x0  }
0x47: {  	[sflag:s31] =	ssyncadd.s32 $0xFFFFFF80  }
0x48: {  	_ =	swait.ge [sflag:s31], $0x80  }
0x49: {  	[sflag:s31] =	ssyncset.done $0x0  }
0x4a: {  	[sflag:s31] =	ssyncadd.s32 $0xFFFFFF80  }
0x4b: {  	[tilespmem:s0], [sflag:$0x1] =	stream.indirect.gather [hbm4b:s1+s22], $0x80, s3, s22, $0xb8;
	[tilespmem:$0x1C400] =	vst v63  }
0x4c: {  	_ = 	snop  }
0x4d: {  	[tilespmem:s2], [sflag:$0x2] =	stream.indirect.gather [hbm4b:s1+s22], $0x80, s22, s22, $0xb8;
	[tilespmem:$0x1C400] =	vst v63  }
0x4e: {  	_ = 	snop  }
0x4f: {  	[tilespmem:s30], [sflag:$0x3] =	stream.indirect.gather [hbm4b:s1+s22], $0x80, s16, s22, $0xb8;
	[tilespmem:$0x1C400] =	vst v63  }
0x50: {  	_ = 	snop  }
0x51: {  	[tilespmem:s4], [sflag:$0x4] =	stream.indirect.gather [hbm4b:s1+s22], $0x80, s26, s22, $0xb8;
	[tilespmem:$0x1C400] =	vst v63  }
0x52: {  	_ =	swait.ge [sflag:s5], $0x8000  }
0x53: {  	[sflag:s5] =	ssyncset.done $0x0  }
0x54: {  	[sflag:s5] =	ssyncadd.s32 $0xFFFF8000  }
0x55: {  	_ =	swait.ge [sflag:s6], $0x4000  }
0x56: {  	[sflag:s6] =	ssyncset.done $0x0  }
0x57: {  	s15 =	simm.s32 $0x0;
	[sflag:s6] =	ssyncadd.s32 $0xFFFFC000  }
0x58: {  	v7 =	vld [tilespmem:s15+$0x400]  }
0x59: {  	v11 =	vld [tilespmem:s15+$0x410]  }
0x5a: {  	v5 =	vld [tilespmem:s15+$0x420]  }
0x5b: {  	v4 =	vld [tilespmem:s15+$0x430]  }
0x5c: {  	v3 =	vld [tilespmem:s15+$0x440]  }
0x5d: {  	v2 =	vld [tilespmem:s15+$0x450]  }
0x5e: {  	v1 =	vld [tilespmem:s15+$0x460]  }
0x5f: {  	v0 =	vld [tilespmem:s15+$0x470]  }
0x60: {  	v12 =	vld [tilespmem:s15+$0x8400]  }
0x61: {  	v13 =	vld [tilespmem:s15+$0x8410]  }
0x62: {  	v10 =	vld [tilespmem:s15+$0x8420]  }
0x63: {  	v9 =	vld [tilespmem:s15+$0x8430]  }
0x64: {  	v8 =	vld [tilespmem:s15+$0x8440]  }
0x65: {  	v6 =	vld [tilespmem:s15+$0x8450];
	v12 =	vadd.f32 v7, v12  }
0x66: {  	s26 =	simm.s32 $0x200;
	v11 =	vadd.f32 v11, v13;
	v7 =	vld [tilespmem:s15+$0x8460]  }
.LBB2_2:
0x67: {  	s16 =	sshra.s32 s26, $0x2;
	p0 =	sne.s32 s26, $0xFE00;
	[tilespmem:s15+$0x8400] =	vst v12;
	v5 =	vadd.f32 v5, v10;
	v10 =	vld [tilespmem:s15+$0x8470]  }
0x68: {  	v12 =	vld [tilespmem:s16+$0x400];
	[tilespmem:s15+$0x8410] =	vst v11;
	v4 =	vadd.f32 v4, v9  }
0x69: {  	v11 =	vld [tilespmem:s16+$0x410];
	[tilespmem:s15+$0x8420] =	vst v5;
	v3 =	vadd.f32 v3, v8  }
0x6a: {  	v5 =	vld [tilespmem:s16+$0x420];
	[tilespmem:s15+$0x8430] =	vst v4;
	v2 =	vadd.f32 v2, v6  }
0x6b: {  	v4 =	vld [tilespmem:s16+$0x430];
	[tilespmem:s15+$0x8440] =	vst v3;
	v1 =	vadd.f32 v1, v7  }
0x6c: {  	v3 =	vld [tilespmem:s16+$0x440];
	[tilespmem:s15+$0x8450] =	vst v2;
	v0 =	vadd.f32 v0, v10  }
0x6d: {  	v2 =	vld [tilespmem:s16+$0x450];
	[tilespmem:s15+$0x8460] =	vst v1  }
0x6e: {  	v1 =	vld [tilespmem:s16+$0x460];
	[tilespmem:s15+$0x8470] =	vst v0;
	s15 =	smov.u32 s16  }
0x6f: {  	v0 =	vld [tilespmem:s15+$0x470]  }
0x70: {  	v6 =	vld [tilespmem:s15+$0x8400]  }
0x71: {  	v7 =	vld [tilespmem:s15+$0x8410]  }
.Ltmp0:
0x72: {  	v10 =	vld [tilespmem:s15+$0x8420];
	(pc) =	sbr.rel @p0 .LBB2_2-.Ltmp0, $4  }
0x73: {  	v9 =	vld [tilespmem:s15+$0x8430]  }
0x74: {  	v8 =	vld [tilespmem:s15+$0x8440]  }
0x75: {  	v12 =	vadd.f32 v12, v6;
	v6 =	vld [tilespmem:s15+$0x8450]  }
0x76: {  	s26 =	sadd.s32 $0x200, s26;
	v11 =	vadd.f32 v11, v7;
	v7 =	vld [tilespmem:s15+$0x8460]  }
0x77: {  	[tilespmem:s15+$0x8400] =	vst v12;
	v5 =	vadd.f32 v5, v10;
	v10 =	vld [tilespmem:s15+$0x8470]  }
0x78: {  	[tilespmem:s15+$0x8410] =	vst v11;
	v4 =	vadd.f32 v4, v9  }
0x79: {  	[tilespmem:s15+$0x8420] =	vst v5;
	v3 =	vadd.f32 v3, v8  }
0x7a: {  	[tilespmem:s15+$0x8430] =	vst v4;
	v2 =	vadd.f32 v2, v6  }
0x7b: {  	[tilespmem:s15+$0x8440] =	vst v3;
	v1 =	vadd.f32 v1, v7  }
0x7c: {  	[tilespmem:s15+$0x8450] =	vst v2;
	v0 =	vadd.f32 v0, v10  }
0x7d: {  	[tilespmem:s15+$0x8460] =	vst v1  }
0x7e: {  	s17 =	simm.s32 $0x0;
	s16 =	rddreg [dreg:$0xd];
	[tilespmem:s15+$0x8470] =	vst v0  }
0x7f: {  	[hbm4b:s16+s17] =	stream.linear.scatter [tilespmem:s0], [sflag:$0x6], $0x4000, $0x38;
	[tilespmem:$0x1C400] =	vst v63  }
0x80: {  	s26 =	simm.s32 $0x200  }
0x81: {  	[tilespmem:s7], [sflag:$0x5] =	stream.indirect.gather [hbm4b:s1+s22], $0x80, s26, s22, $0xb8;
	[tilespmem:$0x1C400] =	vst v63  }
0x82: {  	_ =	swait.ge [sflag:s8], $0x4000  }
0x83: {  	[sflag:s8] =	ssyncset.done $0x0  }
0x84: {  	s15 =	simm.s32 $0x0;
	[sflag:s8] =	ssyncadd.s32 $0xFFFFC000  }
0x85: {  	v7 =	vld [tilespmem:s15+$0x4400]  }
0x86: {  	v11 =	vld [tilespmem:s15+$0x4410]  }
0x87: {  	v5 =	vld [tilespmem:s15+$0x4420]  }
0x88: {  	v4 =	vld [tilespmem:s15+$0x4430]  }
0x89: {  	v3 =	vld [tilespmem:s15+$0x4440]  }
0x8a: {  	v2 =	vld [tilespmem:s15+$0x4450]  }
0x8b: {  	v1 =	vld [tilespmem:s15+$0x4460]  }
0x8c: {  	v0 =	vld [tilespmem:s15+$0x4470]  }
0x8d: {  	v12 =	vld [tilespmem:s15+$0xC400]  }
0x8e: {  	v13 =	vld [tilespmem:s15+$0xC410]  }
0x8f: {  	v10 =	vld [tilespmem:s15+$0xC420]  }
0x90: {  	v9 =	vld [tilespmem:s15+$0xC430]  }
0x91: {  	v8 =	vld [tilespmem:s15+$0xC440]  }
0x92: {  	v6 =	vld [tilespmem:s15+$0xC450];
	v12 =	vadd.f32 v7, v12  }
0x93: {  	s26 =	simm.s32 $0x200;
	v11 =	vadd.f32 v11, v13;
	v7 =	vld [tilespmem:s15+$0xC460]  }
.LBB2_4:
0x94: {  	s16 =	sshra.s32 s26, $0x2;
	p0 =	sne.s32 s26, $0xFE00;
	[tilespmem:s15+$0xC400] =	vst v12;
	v5 =	vadd.f32 v5, v10;
	v10 =	vld [tilespmem:s15+$0xC470]  }
0x95: {  	v12 =	vld [tilespmem:s16+$0x4400];
	[tilespmem:s15+$0xC410] =	vst v11;
	v4 =	vadd.f32 v4, v9  }
0x96: {  	v11 =	vld [tilespmem:s16+$0x4410];
	[tilespmem:s15+$0xC420] =	vst v5;
	v3 =	vadd.f32 v3, v8  }
0x97: {  	v5 =	vld [tilespmem:s16+$0x4420];
	[tilespmem:s15+$0xC430] =	vst v4;
	v2 =	vadd.f32 v2, v6  }
0x98: {  	v4 =	vld [tilespmem:s16+$0x4430];
	[tilespmem:s15+$0xC440] =	vst v3;
	v1 =	vadd.f32 v1, v7  }
0x99: {  	v3 =	vld [tilespmem:s16+$0x4440];
	[tilespmem:s15+$0xC450] =	vst v2;
	v0 =	vadd.f32 v0, v10  }
0x9a: {  	v2 =	vld [tilespmem:s16+$0x4450];
	[tilespmem:s15+$0xC460] =	vst v1  }
0x9b: {  	v1 =	vld [tilespmem:s16+$0x4460];
	[tilespmem:s15+$0xC470] =	vst v0;
	s15 =	smov.u32 s16  }
0x9c: {  	v0 =	vld [tilespmem:s15+$0x4470]  }
0x9d: {  	v6 =	vld [tilespmem:s15+$0xC400]  }
0x9e: {  	v7 =	vld [tilespmem:s15+$0xC410]  }
.Ltmp1:
0x9f: {  	v10 =	vld [tilespmem:s15+$0xC420];
	(pc) =	sbr.rel @p0 .LBB2_4-.Ltmp1, $4  }
0xa0: {  	v9 =	vld [tilespmem:s15+$0xC430]  }
0xa1: {  	v8 =	vld [tilespmem:s15+$0xC440]  }
0xa2: {  	v12 =	vadd.f32 v12, v6;
	v6 =	vld [tilespmem:s15+$0xC450]  }
0xa3: {  	s26 =	sadd.s32 $0x200, s26;
	v11 =	vadd.f32 v11, v7;
	v7 =	vld [tilespmem:s15+$0xC460]  }
0xa4: {  	[tilespmem:s15+$0xC400] =	vst v12;
	v5 =	vadd.f32 v5, v10;
	v10 =	vld [tilespmem:s15+$0xC470]  }
0xa5: {  	[tilespmem:s15+$0xC410] =	vst v11;
	v4 =	vadd.f32 v4, v9  }
0xa6: {  	[tilespmem:s15+$0xC420] =	vst v5;
	v3 =	vadd.f32 v3, v8  }
0xa7: {  	[tilespmem:s15+$0xC430] =	vst v4;
	v2 =	vadd.f32 v2, v6  }
0xa8: {  	[tilespmem:s15+$0xC440] =	vst v3;
	v1 =	vadd.f32 v1, v7  }
0xa9: {  	[tilespmem:s15+$0xC450] =	vst v2;
	v0 =	vadd.f32 v0, v10  }
0xaa: {  	[tilespmem:s15+$0xC460] =	vst v1  }
0xab: {  	s26 =	simm.s32 $0x0;
	s16 =	rddreg [dreg:$0xe];
	[tilespmem:s15+$0xC470] =	vst v0  }
0xac: {  	[hbm4b:s16+s26] =	stream.linear.scatter [tilespmem:s2], [sflag:$0x7], $0x4000, $0x38;
	[tilespmem:$0x1C400] =	vst v63  }
0xad: {  	_ =	swait.ge [sflag:s9], $0x4000  }
0xae: {  	[sflag:s9] =	ssyncset.done $0x0  }
0xaf: {  	[sflag:s9] =	ssyncadd.s32 $0xFFFFC000  }
0xb0: {  	[tilespmem:s0], [sflag:$0x1] =	stream.indirect.gather [hbm4b:s1+s22], $0x80, s28, s22, $0xb8;
	[tilespmem:$0x1C400] =	vst v63  }
0xb1: {  	_ =	swait.ge [sflag:s10], $0x4000  }
0xb2: {  	[sflag:s10] =	ssyncset.done $0x0  }
0xb3: {  	s15 =	simm.s32 $0x0;
	[sflag:s10] =	ssyncadd.s32 $0xFFFFC000  }
0xb4: {  	v7 =	vld [tilespmem:s15+$0x400]  }
0xb5: {  	v11 =	vld [tilespmem:s15+$0x410]  }
0xb6: {  	v5 =	vld [tilespmem:s15+$0x420]  }
0xb7: {  	v4 =	vld [tilespmem:s15+$0x430]  }
0xb8: {  	v3 =	vld [tilespmem:s15+$0x440]  }
0xb9: {  	v2 =	vld [tilespmem:s15+$0x450]  }
0xba: {  	v1 =	vld [tilespmem:s15+$0x460]  }
0xbb: {  	v0 =	vld [tilespmem:s15+$0x470]  }
0xbc: {  	v12 =	vld [tilespmem:s15+$0x10400]  }
0xbd: {  	v13 =	vld [tilespmem:s15+$0x10410]  }
0xbe: {  	v10 =	vld [tilespmem:s15+$0x10420]  }
0xbf: {  	v9 =	vld [tilespmem:s15+$0x10430]  }
0xc0: {  	v8 =	vld [tilespmem:s15+$0x10440]  }
0xc1: {  	v6 =	vld [tilespmem:s15+$0x10450];
	v12 =	vadd.f32 v7, v12  }
0xc2: {  	s26 =	simm.s32 $0x200;
	v11 =	vadd.f32 v11, v13;
	v7 =	vld [tilespmem:s15+$0x10460]  }
.LBB2_6:
0xc3: {  	s16 =	sshra.s32 s26, $0x2;
	p0 =	sne.s32 s26, $0xFE00;
	[tilespmem:s15+$0x10400] =	vst v12;
	v5 =	vadd.f32 v5, v10;
	v10 =	vld [tilespmem:s15+$0x10470]  }
0xc4: {  	v12 =	vld [tilespmem:s16+$0x400];
	[tilespmem:s15+$0x10410] =	vst v11;
	v4 =	vadd.f32 v4, v9  }
0xc5: {  	v11 =	vld [tilespmem:s16+$0x410];
	[tilespmem:s15+$0x10420] =	vst v5;
	v3 =	vadd.f32 v3, v8  }
0xc6: {  	v5 =	vld [tilespmem:s16+$0x420];
	[tilespmem:s15+$0x10430] =	vst v4;
	v2 =	vadd.f32 v2, v6  }
0xc7: {  	v4 =	vld [tilespmem:s16+$0x430];
	[tilespmem:s15+$0x10440] =	vst v3;
	v1 =	vadd.f32 v1, v7  }
0xc8: {  	v3 =	vld [tilespmem:s16+$0x440];
	[tilespmem:s15+$0x10450] =	vst v2;
	v0 =	vadd.f32 v0, v10  }
0xc9: {  	v2 =	vld [tilespmem:s16+$0x450];
	[tilespmem:s15+$0x10460] =	vst v1  }
0xca: {  	v1 =	vld [tilespmem:s16+$0x460];
	[tilespmem:s15+$0x10470] =	vst v0;
	s15 =	smov.u32 s16  }
0xcb: {  	v0 =	vld [tilespmem:s15+$0x470]  }
0xcc: {  	v6 =	vld [tilespmem:s15+$0x10400]  }
0xcd: {  	v7 =	vld [tilespmem:s15+$0x10410]  }
.Ltmp2:
0xce: {  	v10 =	vld [tilespmem:s15+$0x10420];
	(pc) =	sbr.rel @p0 .LBB2_6-.Ltmp2, $4  }
0xcf: {  	v9 =	vld [tilespmem:s15+$0x10430]  }
0xd0: {  	v8 =	vld [tilespmem:s15+$0x10440]  }
0xd1: {  	v12 =	vadd.f32 v12, v6;
	v6 =	vld [tilespmem:s15+$0x10450]  }
0xd2: {  	s26 =	sadd.s32 $0x200, s26;
	v11 =	vadd.f32 v11, v7;
	v7 =	vld [tilespmem:s15+$0x10460]  }
0xd3: {  	[tilespmem:s15+$0x10400] =	vst v12;
	v5 =	vadd.f32 v5, v10;
	v10 =	vld [tilespmem:s15+$0x10470]  }
0xd4: {  	[tilespmem:s15+$0x10410] =	vst v11;
	v4 =	vadd.f32 v4, v9  }
0xd5: {  	[tilespmem:s15+$0x10420] =	vst v5;
	v3 =	vadd.f32 v3, v8  }
0xd6: {  	[tilespmem:s15+$0x10430] =	vst v4;
	v2 =	vadd.f32 v2, v6  }
0xd7: {  	[tilespmem:s15+$0x10440] =	vst v3;
	v1 =	vadd.f32 v1, v7  }
0xd8: {  	[tilespmem:s15+$0x10450] =	vst v2;
	v0 =	vadd.f32 v0, v10  }
0xd9: {  	[tilespmem:s15+$0x10460] =	vst v1  }
0xda: {  	s26 =	simm.s32 $0x0;
	s16 =	rddreg [dreg:$0xf];
	[tilespmem:s15+$0x10470] =	vst v0  }
0xdb: {  	[hbm4b:s16+s26] =	stream.linear.scatter [tilespmem:s30], [sflag:$0x8], $0x4000, $0x38;
	[tilespmem:$0x1C400] =	vst v63  }
0xdc: {  	_ =	swait.ge [sflag:s11], $0x4000  }
0xdd: {  	[sflag:s11] =	ssyncset.done $0x0  }
0xde: {  	s28 =	simm.s32 $0x300;
	[sflag:s11] =	ssyncadd.s32 $0xFFFFC000  }
0xdf: {  	[tilespmem:s2], [sflag:$0x2] =	stream.indirect.gather [hbm4b:s1+s22], $0x80, s28, s22, $0xb8;
	[tilespmem:$0x1C400] =	vst v63  }
0xe0: {  	_ =	swait.ge [sflag:s12], $0x4000  }
0xe1: {  	[sflag:s12] =	ssyncset.done $0x0  }
0xe2: {  	s15 =	simm.s32 $0x0;
	[sflag:s12] =	ssyncadd.s32 $0xFFFFC000  }
0xe3: {  	v7 =	vld [tilespmem:s15+$0x4400]  }
0xe4: {  	v11 =	vld [tilespmem:s15+$0x4410]  }
0xe5: {  	v5 =	vld [tilespmem:s15+$0x4420]  }
0xe6: {  	v4 =	vld [tilespmem:s15+$0x4430]  }
0xe7: {  	v3 =	vld [tilespmem:s15+$0x4440]  }
0xe8: {  	v2 =	vld [tilespmem:s15+$0x4450]  }
0xe9: {  	v1 =	vld [tilespmem:s15+$0x4460]  }
0xea: {  	v0 =	vld [tilespmem:s15+$0x4470]  }
0xeb: {  	v12 =	vld [tilespmem:s15+$0x14400]  }
0xec: {  	v13 =	vld [tilespmem:s15+$0x14410]  }
0xed: {  	v10 =	vld [tilespmem:s15+$0x14420]  }
0xee: {  	v9 =	vld [tilespmem:s15+$0x14430]  }
0xef: {  	v8 =	vld [tilespmem:s15+$0x14440]  }
0xf0: {  	v6 =	vld [tilespmem:s15+$0x14450];
	v12 =	vadd.f32 v7, v12  }
0xf1: {  	s26 =	simm.s32 $0x200;
	v11 =	vadd.f32 v11, v13;
	v7 =	vld [tilespmem:s15+$0x14460]  }
.LBB2_8:
0xf2: {  	s16 =	sshra.s32 s26, $0x2;
	p0 =	sne.s32 s26, $0xFE00;
	[tilespmem:s15+$0x14400] =	vst v12;
	v5 =	vadd.f32 v5, v10;
	v10 =	vld [tilespmem:s15+$0x14470]  }
0xf3: {  	v12 =	vld [tilespmem:s16+$0x4400];
	[tilespmem:s15+$0x14410] =	vst v11;
	v4 =	vadd.f32 v4, v9  }
0xf4: {  	v11 =	vld [tilespmem:s16+$0x4410];
	[tilespmem:s15+$0x14420] =	vst v5;
	v3 =	vadd.f32 v3, v8  }
0xf5: {  	v5 =	vld [tilespmem:s16+$0x4420];
	[tilespmem:s15+$0x14430] =	vst v4;
	v2 =	vadd.f32 v2, v6  }
0xf6: {  	v4 =	vld [tilespmem:s16+$0x4430];
	[tilespmem:s15+$0x14440] =	vst v3;
	v1 =	vadd.f32 v1, v7  }
0xf7: {  	v3 =	vld [tilespmem:s16+$0x4440];
	[tilespmem:s15+$0x14450] =	vst v2;
	v0 =	vadd.f32 v0, v10  }
0xf8: {  	v2 =	vld [tilespmem:s16+$0x4450];
	[tilespmem:s15+$0x14460] =	vst v1  }
0xf9: {  	v1 =	vld [tilespmem:s16+$0x4460];
	[tilespmem:s15+$0x14470] =	vst v0;
	s15 =	smov.u32 s16  }
0xfa: {  	v0 =	vld [tilespmem:s15+$0x4470]  }
0xfb: {  	v6 =	vld [tilespmem:s15+$0x14400]  }
0xfc: {  	v7 =	vld [tilespmem:s15+$0x14410]  }
.Ltmp3:
0xfd: {  	v10 =	vld [tilespmem:s15+$0x14420];
	(pc) =	sbr.rel @p0 .LBB2_8-.Ltmp3, $4  }
0xfe: {  	v9 =	vld [tilespmem:s15+$0x14430]  }
0xff: {  	v8 =	vld [tilespmem:s15+$0x14440]  }
0x100: {  	v12 =	vadd.f32 v12, v6;
	v6 =	vld [tilespmem:s15+$0x14450]  }
0x101: {  	s26 =	sadd.s32 $0x200, s26;
	v11 =	vadd.f32 v11, v7;
	v7 =	vld [tilespmem:s15+$0x14460]  }
0x102: {  	[tilespmem:s15+$0x14400] =	vst v12;
	v5 =	vadd.f32 v5, v10;
	v10 =	vld [tilespmem:s15+$0x14470]  }
0x103: {  	[tilespmem:s15+$0x14410] =	vst v11;
	v4 =	vadd.f32 v4, v9  }
0x104: {  	[tilespmem:s15+$0x14420] =	vst v5;
	v3 =	vadd.f32 v3, v8  }
0x105: {  	[tilespmem:s15+$0x14430] =	vst v4;
	v2 =	vadd.f32 v2, v6  }
0x106: {  	[tilespmem:s15+$0x14440] =	vst v3;
	v1 =	vadd.f32 v1, v7  }
0x107: {  	[tilespmem:s15+$0x14450] =	vst v2;
	v0 =	vadd.f32 v0, v10  }
0x108: {  	[tilespmem:s15+$0x14460] =	vst v1  }
0x109: {  	s28 =	simm.s32 $0x0;
	s16 =	rddreg [dreg:$0x10];
	[tilespmem:s15+$0x14470] =	vst v0  }
0x10a: {  	[hbm4b:s16+s28] =	stream.linear.scatter [tilespmem:s4], [sflag:$0x9], $0x4000, $0x38;
	[tilespmem:$0x1C400] =	vst v63  }
0x10b: {  	_ =	swait.ge [sflag:s13], $0x4000  }
0x10c: {  	[sflag:s13] =	ssyncset.done $0x0  }
0x10d: {  	[sflag:s13] =	ssyncadd.s32 $0xFFFFC000  }
0x10e: {  	[tilespmem:s30], [sflag:$0x3] =	stream.indirect.gather [hbm4b:s1+s22], $0x80, s29, s22, $0xb8;
	[tilespmem:$0x1C400] =	vst v63  }
0x10f: {  	_ =	swait.ge [sflag:s14], $0x4000  }
0x110: {  	[sflag:s14] =	ssyncset.done $0x0  }
0x111: {  	s15 =	simm.s32 $0x0;
	[sflag:s14] =	ssyncadd.s32 $0xFFFFC000  }
0x112: {  	v7 =	vld [tilespmem:s15+$0x400]  }
0x113: {  	v11 =	vld [tilespmem:s15+$0x410]  }
0x114: {  	v5 =	vld [tilespmem:s15+$0x420]  }
0x115: {  	v4 =	vld [tilespmem:s15+$0x430]  }
0x116: {  	v3 =	vld [tilespmem:s15+$0x440]  }
0x117: {  	v2 =	vld [tilespmem:s15+$0x450]  }
0x118: {  	v1 =	vld [tilespmem:s15+$0x460]  }
0x119: {  	v0 =	vld [tilespmem:s15+$0x470]  }
0x11a: {  	v12 =	vld [tilespmem:s15+$0x18400]  }
0x11b: {  	v13 =	vld [tilespmem:s15+$0x18410]  }
0x11c: {  	v10 =	vld [tilespmem:s15+$0x18420]  }
0x11d: {  	v9 =	vld [tilespmem:s15+$0x18430]  }
0x11e: {  	v8 =	vld [tilespmem:s15+$0x18440]  }
0x11f: {  	v6 =	vld [tilespmem:s15+$0x18450];
	v12 =	vadd.f32 v7, v12  }
0x120: {  	s26 =	simm.s32 $0x200;
	v11 =	vadd.f32 v11, v13;
	v7 =	vld [tilespmem:s15+$0x18460]  }
.LBB2_10:
0x121: {  	s16 =	sshra.s32 s26, $0x2;
	p0 =	sne.s32 s26, $0xFE00;
	[tilespmem:s15+$0x18400] =	vst v12;
	v5 =	vadd.f32 v5, v10;
	v10 =	vld [tilespmem:s15+$0x18470]  }
0x122: {  	v12 =	vld [tilespmem:s16+$0x400];
	[tilespmem:s15+$0x18410] =	vst v11;
	v4 =	vadd.f32 v4, v9  }
0x123: {  	v11 =	vld [tilespmem:s16+$0x410];
	[tilespmem:s15+$0x18420] =	vst v5;
	v3 =	vadd.f32 v3, v8  }
0x124: {  	v5 =	vld [tilespmem:s16+$0x420];
	[tilespmem:s15+$0x18430] =	vst v4;
	v2 =	vadd.f32 v2, v6  }
0x125: {  	v4 =	vld [tilespmem:s16+$0x430];
	[tilespmem:s15+$0x18440] =	vst v3;
	v1 =	vadd.f32 v1, v7  }
0x126: {  	v3 =	vld [tilespmem:s16+$0x440];
	[tilespmem:s15+$0x18450] =	vst v2;
	v0 =	vadd.f32 v0, v10  }
0x127: {  	v2 =	vld [tilespmem:s16+$0x450];
	[tilespmem:s15+$0x18460] =	vst v1  }
0x128: {  	v1 =	vld [tilespmem:s16+$0x460];
	[tilespmem:s15+$0x18470] =	vst v0;
	s15 =	smov.u32 s16  }
0x129: {  	v0 =	vld [tilespmem:s15+$0x470]  }
0x12a: {  	v6 =	vld [tilespmem:s15+$0x18400]  }
0x12b: {  	v7 =	vld [tilespmem:s15+$0x18410]  }
.Ltmp4:
0x12c: {  	v10 =	vld [tilespmem:s15+$0x18420];
	(pc) =	sbr.rel @p0 .LBB2_10-.Ltmp4, $4  }
0x12d: {  	v9 =	vld [tilespmem:s15+$0x18430]  }
0x12e: {  	v8 =	vld [tilespmem:s15+$0x18440]  }
0x12f: {  	v12 =	vadd.f32 v12, v6;
	v6 =	vld [tilespmem:s15+$0x18450]  }
0x130: {  	s26 =	sadd.s32 $0x200, s26;
	v11 =	vadd.f32 v11, v7;
	v7 =	vld [tilespmem:s15+$0x18460]  }
0x131: {  	[tilespmem:s15+$0x18400] =	vst v12;
	v5 =	vadd.f32 v5, v10;
	v10 =	vld [tilespmem:s15+$0x18470]  }
0x132: {  	[tilespmem:s15+$0x18410] =	vst v11;
	v4 =	vadd.f32 v4, v9  }
0x133: {  	[tilespmem:s15+$0x18420] =	vst v5;
	v3 =	vadd.f32 v3, v8  }
0x134: {  	[tilespmem:s15+$0x18430] =	vst v4;
	v2 =	vadd.f32 v2, v6  }
0x135: {  	[tilespmem:s15+$0x18440] =	vst v3;
	v1 =	vadd.f32 v1, v7  }
0x136: {  	[tilespmem:s15+$0x18450] =	vst v2;
	v0 =	vadd.f32 v0, v10  }
0x137: {  	[tilespmem:s15+$0x18460] =	vst v1  }
0x138: {  	s28 =	simm.s32 $0x0;
	s16 =	rddreg [dreg:$0x11];
	[tilespmem:s15+$0x18470] =	vst v0  }
0x139: {  	[hbm4b:s16+s28] =	stream.linear.scatter [tilespmem:s7], [sflag:$0xA], $0x4000, $0x38;
	[tilespmem:$0x1C400] =	vst v63  }
0x13a: {  	_ =	swait.ge [sflag:s6], $0x4000  }
0x13b: {  	[sflag:s6] =	ssyncset.done $0x0  }
0x13c: {  	s15 =	simm.s32 $0x0;
	[sflag:s6] =	ssyncadd.s32 $0xFFFFC000  }
0x13d: {  	v7 =	vld [tilespmem:s15+$0x4400]  }
0x13e: {  	v11 =	vld [tilespmem:s15+$0x4410]  }
0x13f: {  	v5 =	vld [tilespmem:s15+$0x4420]  }
0x140: {  	v4 =	vld [tilespmem:s15+$0x4430]  }
0x141: {  	v3 =	vld [tilespmem:s15+$0x4440]  }
0x142: {  	v2 =	vld [tilespmem:s15+$0x4450]  }
0x143: {  	v1 =	vld [tilespmem:s15+$0x4460]  }
0x144: {  	v0 =	vld [tilespmem:s15+$0x4470]  }
0x145: {  	v12 =	vld [tilespmem:s15+$0x8400]  }
0x146: {  	v13 =	vld [tilespmem:s15+$0x8410]  }
0x147: {  	v10 =	vld [tilespmem:s15+$0x8420]  }
0x148: {  	v9 =	vld [tilespmem:s15+$0x8430]  }
0x149: {  	v8 =	vld [tilespmem:s15+$0x8440]  }
0x14a: {  	v6 =	vld [tilespmem:s15+$0x8450];
	v12 =	vadd.f32 v7, v12  }
0x14b: {  	s26 =	simm.s32 $0x200;
	v11 =	vadd.f32 v11, v13;
	v7 =	vld [tilespmem:s15+$0x8460]  }
.LBB2_12:
0x14c: {  	s16 =	sshra.s32 s26, $0x2;
	p0 =	sne.s32 s26, $0xFE00;
	[tilespmem:s15+$0x8400] =	vst v12;
	v5 =	vadd.f32 v5, v10;
	v10 =	vld [tilespmem:s15+$0x8470]  }
0x14d: {  	v12 =	vld [tilespmem:s16+$0x4400];
	[tilespmem:s15+$0x8410] =	vst v11;
	v4 =	vadd.f32 v4, v9  }
0x14e: {  	v11 =	vld [tilespmem:s16+$0x4410];
	[tilespmem:s15+$0x8420] =	vst v5;
	v3 =	vadd.f32 v3, v8  }
0x14f: {  	v5 =	vld [tilespmem:s16+$0x4420];
	[tilespmem:s15+$0x8430] =	vst v4;
	v2 =	vadd.f32 v2, v6  }
0x150: {  	v4 =	vld [tilespmem:s16+$0x4430];
	[tilespmem:s15+$0x8440] =	vst v3;
	v1 =	vadd.f32 v1, v7  }
0x151: {  	v3 =	vld [tilespmem:s16+$0x4440];
	[tilespmem:s15+$0x8450] =	vst v2;
	v0 =	vadd.f32 v0, v10  }
0x152: {  	v2 =	vld [tilespmem:s16+$0x4450];
	[tilespmem:s15+$0x8460] =	vst v1  }
0x153: {  	v1 =	vld [tilespmem:s16+$0x4460];
	[tilespmem:s15+$0x8470] =	vst v0;
	s15 =	smov.u32 s16  }
0x154: {  	v0 =	vld [tilespmem:s15+$0x4470]  }
0x155: {  	v6 =	vld [tilespmem:s15+$0x8400]  }
0x156: {  	v7 =	vld [tilespmem:s15+$0x8410]  }
.Ltmp5:
0x157: {  	v10 =	vld [tilespmem:s15+$0x8420];
	(pc) =	sbr.rel @p0 .LBB2_12-.Ltmp5, $4  }
0x158: {  	v9 =	vld [tilespmem:s15+$0x8430]  }
0x159: {  	v8 =	vld [tilespmem:s15+$0x8440]  }
0x15a: {  	v12 =	vadd.f32 v12, v6;
	v6 =	vld [tilespmem:s15+$0x8450]  }
0x15b: {  	s26 =	sadd.s32 $0x200, s26;
	v11 =	vadd.f32 v11, v7;
	v7 =	vld [tilespmem:s15+$0x8460]  }
0x15c: {  	[tilespmem:s15+$0x8400] =	vst v12;
	v5 =	vadd.f32 v5, v10;
	v10 =	vld [tilespmem:s15+$0x8470]  }
0x15d: {  	[tilespmem:s15+$0x8410] =	vst v11;
	v4 =	vadd.f32 v4, v9  }
0x15e: {  	[tilespmem:s15+$0x8420] =	vst v5;
	v3 =	vadd.f32 v3, v8  }
0x15f: {  	[tilespmem:s15+$0x8430] =	vst v4;
	v2 =	vadd.f32 v2, v6  }
0x160: {  	[tilespmem:s15+$0x8440] =	vst v3;
	v1 =	vadd.f32 v1, v7  }
0x161: {  	[tilespmem:s15+$0x8450] =	vst v2;
	v0 =	vadd.f32 v0, v10  }
0x162: {  	[tilespmem:s15+$0x8460] =	vst v1  }
0x163: {  	s28 =	simm.s32 $0x0;
	[tilespmem:s15+$0x8470] =	vst v0  }
0x164: {  	[hbm4b:s18+s28] =	stream.linear.scatter [tilespmem:s0], [sflag:$0x6], $0x4000, $0x38;
	[tilespmem:$0x1C400] =	vst v63  }
0x165: {  	_ =	swait.ge [sflag:s8], $0x4000  }
0x166: {  	[sflag:s8] =	ssyncset.done $0x0  }
0x167: {  	s15 =	simm.s32 $0x0;
	[sflag:s8] =	ssyncadd.s32 $0xFFFFC000  }
0x168: {  	v7 =	vld [tilespmem:s15+$0x400]  }
0x169: {  	v11 =	vld [tilespmem:s15+$0x410]  }
0x16a: {  	v5 =	vld [tilespmem:s15+$0x420]  }
0x16b: {  	v4 =	vld [tilespmem:s15+$0x430]  }
0x16c: {  	v3 =	vld [tilespmem:s15+$0x440]  }
0x16d: {  	v2 =	vld [tilespmem:s15+$0x450]  }
0x16e: {  	v1 =	vld [tilespmem:s15+$0x460]  }
0x16f: {  	v0 =	vld [tilespmem:s15+$0x470]  }
0x170: {  	v12 =	vld [tilespmem:s15+$0xC400]  }
0x171: {  	v13 =	vld [tilespmem:s15+$0xC410]  }
0x172: {  	v10 =	vld [tilespmem:s15+$0xC420]  }
0x173: {  	v9 =	vld [tilespmem:s15+$0xC430]  }
0x174: {  	v8 =	vld [tilespmem:s15+$0xC440]  }
0x175: {  	v6 =	vld [tilespmem:s15+$0xC450];
	v12 =	vadd.f32 v7, v12  }
0x176: {  	s26 =	simm.s32 $0x200;
	v11 =	vadd.f32 v11, v13;
	v7 =	vld [tilespmem:s15+$0xC460]  }
.LBB2_14:
0x177: {  	s16 =	sshra.s32 s26, $0x2;
	p0 =	sne.s32 s26, $0xFE00;
	[tilespmem:s15+$0xC400] =	vst v12;
	v5 =	vadd.f32 v5, v10;
	v10 =	vld [tilespmem:s15+$0xC470]  }
0x178: {  	v12 =	vld [tilespmem:s16+$0x400];
	[tilespmem:s15+$0xC410] =	vst v11;
	v4 =	vadd.f32 v4, v9  }
0x179: {  	v11 =	vld [tilespmem:s16+$0x410];
	[tilespmem:s15+$0xC420] =	vst v5;
	v3 =	vadd.f32 v3, v8  }
0x17a: {  	v5 =	vld [tilespmem:s16+$0x420];
	[tilespmem:s15+$0xC430] =	vst v4;
	v2 =	vadd.f32 v2, v6  }
0x17b: {  	v4 =	vld [tilespmem:s16+$0x430];
	[tilespmem:s15+$0xC440] =	vst v3;
	v1 =	vadd.f32 v1, v7  }
0x17c: {  	v3 =	vld [tilespmem:s16+$0x440];
	[tilespmem:s15+$0xC450] =	vst v2;
	v0 =	vadd.f32 v0, v10  }
0x17d: {  	v2 =	vld [tilespmem:s16+$0x450];
	[tilespmem:s15+$0xC460] =	vst v1  }
0x17e: {  	v1 =	vld [tilespmem:s16+$0x460];
	[tilespmem:s15+$0xC470] =	vst v0;
	s15 =	smov.u32 s16  }
0x17f: {  	v0 =	vld [tilespmem:s15+$0x470]  }
0x180: {  	v6 =	vld [tilespmem:s15+$0xC400]  }
0x181: {  	v7 =	vld [tilespmem:s15+$0xC410]  }
.Ltmp6:
0x182: {  	v10 =	vld [tilespmem:s15+$0xC420];
	(pc) =	sbr.rel @p0 .LBB2_14-.Ltmp6, $4  }
0x183: {  	v9 =	vld [tilespmem:s15+$0xC430]  }
0x184: {  	v8 =	vld [tilespmem:s15+$0xC440]  }
0x185: {  	v12 =	vadd.f32 v12, v6;
	v6 =	vld [tilespmem:s15+$0xC450]  }
0x186: {  	s26 =	sadd.s32 $0x200, s26;
	v11 =	vadd.f32 v11, v7;
	v7 =	vld [tilespmem:s15+$0xC460]  }
0x187: {  	[tilespmem:s15+$0xC400] =	vst v12;
	v5 =	vadd.f32 v5, v10;
	v10 =	vld [tilespmem:s15+$0xC470]  }
0x188: {  	[tilespmem:s15+$0xC410] =	vst v11;
	v4 =	vadd.f32 v4, v9  }
0x189: {  	[tilespmem:s15+$0xC420] =	vst v5;
	v3 =	vadd.f32 v3, v8  }
0x18a: {  	[tilespmem:s15+$0xC430] =	vst v4;
	v2 =	vadd.f32 v2, v6  }
0x18b: {  	[tilespmem:s15+$0xC440] =	vst v3;
	v1 =	vadd.f32 v1, v7  }
0x18c: {  	[tilespmem:s15+$0xC450] =	vst v2;
	v0 =	vadd.f32 v0, v10  }
0x18d: {  	[tilespmem:s15+$0xC460] =	vst v1  }
0x18e: {  	s28 =	simm.s32 $0x0;
	[tilespmem:s15+$0xC470] =	vst v0  }
0x18f: {  	[hbm4b:s19+s28] =	stream.linear.scatter [tilespmem:s2], [sflag:$0x7], $0x4000, $0x38;
	[tilespmem:$0x1C400] =	vst v63  }
0x190: {  	_ =	swait.ge [sflag:s10], $0x4000  }
0x191: {  	[sflag:s10] =	ssyncset.done $0x0  }
0x192: {  	s15 =	simm.s32 $0x0;
	[sflag:s10] =	ssyncadd.s32 $0xFFFFC000  }
0x193: {  	v7 =	vld [tilespmem:s15+$0x4400]  }
0x194: {  	v11 =	vld [tilespmem:s15+$0x4410]  }
0x195: {  	v5 =	vld [tilespmem:s15+$0x4420]  }
0x196: {  	v4 =	vld [tilespmem:s15+$0x4430]  }
0x197: {  	v3 =	vld [tilespmem:s15+$0x4440]  }
0x198: {  	v2 =	vld [tilespmem:s15+$0x4450]  }
0x199: {  	v1 =	vld [tilespmem:s15+$0x4460]  }
0x19a: {  	v0 =	vld [tilespmem:s15+$0x4470]  }
0x19b: {  	v12 =	vld [tilespmem:s15+$0x10400]  }
0x19c: {  	v13 =	vld [tilespmem:s15+$0x10410]  }
0x19d: {  	v10 =	vld [tilespmem:s15+$0x10420]  }
0x19e: {  	v9 =	vld [tilespmem:s15+$0x10430]  }
0x19f: {  	v8 =	vld [tilespmem:s15+$0x10440]  }
0x1a0: {  	v6 =	vld [tilespmem:s15+$0x10450];
	v12 =	vadd.f32 v7, v12  }
0x1a1: {  	s26 =	simm.s32 $0x200;
	v11 =	vadd.f32 v11, v13;
	v7 =	vld [tilespmem:s15+$0x10460]  }
.LBB2_16:
0x1a2: {  	s16 =	sshra.s32 s26, $0x2;
	p0 =	sne.s32 s26, $0xFE00;
	[tilespmem:s15+$0x10400] =	vst v12;
	v5 =	vadd.f32 v5, v10;
	v10 =	vld [tilespmem:s15+$0x10470]  }
0x1a3: {  	v12 =	vld [tilespmem:s16+$0x4400];
	[tilespmem:s15+$0x10410] =	vst v11;
	v4 =	vadd.f32 v4, v9  }
0x1a4: {  	v11 =	vld [tilespmem:s16+$0x4410];
	[tilespmem:s15+$0x10420] =	vst v5;
	v3 =	vadd.f32 v3, v8  }
0x1a5: {  	v5 =	vld [tilespmem:s16+$0x4420];
	[tilespmem:s15+$0x10430] =	vst v4;
	v2 =	vadd.f32 v2, v6  }
0x1a6: {  	v4 =	vld [tilespmem:s16+$0x4430];
	[tilespmem:s15+$0x10440] =	vst v3;
	v1 =	vadd.f32 v1, v7  }
0x1a7: {  	v3 =	vld [tilespmem:s16+$0x4440];
	[tilespmem:s15+$0x10450] =	vst v2;
	v0 =	vadd.f32 v0, v10  }
0x1a8: {  	v2 =	vld [tilespmem:s16+$0x4450];
	[tilespmem:s15+$0x10460] =	vst v1  }
0x1a9: {  	v1 =	vld [tilespmem:s16+$0x4460];
	[tilespmem:s15+$0x10470] =	vst v0;
	s15 =	smov.u32 s16  }
0x1aa: {  	v0 =	vld [tilespmem:s15+$0x4470]  }
0x1ab: {  	v6 =	vld [tilespmem:s15+$0x10400]  }
0x1ac: {  	v7 =	vld [tilespmem:s15+$0x10410]  }
.Ltmp7:
0x1ad: {  	v10 =	vld [tilespmem:s15+$0x10420];
	(pc) =	sbr.rel @p0 .LBB2_16-.Ltmp7, $4  }
0x1ae: {  	v9 =	vld [tilespmem:s15+$0x10430]  }
0x1af: {  	v8 =	vld [tilespmem:s15+$0x10440]  }
0x1b0: {  	v12 =	vadd.f32 v12, v6;
	v6 =	vld [tilespmem:s15+$0x10450]  }
0x1b1: {  	s26 =	sadd.s32 $0x200, s26;
	v11 =	vadd.f32 v11, v7;
	v7 =	vld [tilespmem:s15+$0x10460]  }
0x1b2: {  	[tilespmem:s15+$0x10400] =	vst v12;
	v5 =	vadd.f32 v5, v10;
	v63 =	vld [tilespmem:s15+$0x10470]  }
0x1b3: {  	[tilespmem:s15+$0x10410] =	vst v11;
	v4 =	vadd.f32 v4, v9  }
0x1b4: {  	[tilespmem:s15+$0x10420] =	vst v5;
	v3 =	vadd.f32 v3, v8  }
0x1b5: {  	[tilespmem:s15+$0x10430] =	vst v4;
	v2 =	vadd.f32 v2, v6  }
0x1b6: {  	[tilespmem:s15+$0x10440] =	vst v3;
	v1 =	vadd.f32 v1, v7  }
0x1b7: {  	[tilespmem:s15+$0x10450] =	vst v2;
	v0 =	vadd.f32 v0, v63  }
0x1b8: {  	[tilespmem:s15+$0x10460] =	vst v1  }
0x1b9: {  	[tilespmem:s15+$0x10470] =	vst v0  }
0x1ba: {  	[hbm4b:s20+s3] =	stream.linear.scatter [tilespmem:s30], [sflag:$0x8], $0x4000, $0x38;
	[tilespmem:$0x1C400] =	vst v63  }
0x1bb: {  	_ =	swait.ge [sflag:s9], $0x4000  }
0x1bc: {  	[sflag:s9] =	ssyncset.done $0x0  }
0x1bd: {  	[sflag:s9] =	ssyncadd.s32 $0xFFFFC000  }
0x1be: {  	_ =	swait.ge [sflag:s11], $0x4000  }
0x1bf: {  	[sflag:s11] =	ssyncset.done $0x0  }
0x1c0: {  	[sflag:s11] =	ssyncadd.s32 $0xFFFFC000  }
0x1c1: {  	_ =	swait.ge [sflag:s13], $0x4000  }
0x1c2: {  	[sflag:s13] =	ssyncset.done $0x0  }
0x1c3: {  	s25 =	sadd.s32 $0x1, s25;
	[sflag:s13] =	ssyncadd.s32 $0xFFFFC000  }
0x1c4: {  	p0 =	sne.s32 s25, s21;
	_ =	swait.ge [sflag:s23], $0x4000  }
.Ltmp8:
0x1c5: {  	[sflag:s23] =	ssyncset.done $0x0;
	(pc) =	sbr.rel @p0 .LBB2_1-.Ltmp8, $4  }
0x1c6: {  	[sflag:s23] =	ssyncadd.s32 $0xFFFFC000  }
0x1c7: {  	_ =	swait.ge [sflag:s24], $0x4000  }
0x1c8: {  	[sflag:s24] =	ssyncset.done $0x0  }
0x1c9: {  	[sflag:s24] =	ssyncadd.s32 $0xFFFFC000  }
0x1ca: {  	_ =	sfence.sel $0x180000  }
0x1cb: {  	[bflag:$0x0] =	sbarrier.arrive $0xFFFF  }
0x1cc: {  	_ =	strace $0x90000047  }
0x1cd: {  	s0 =	stileid.u32;
	[bflag:$0x2] =	sbarrier.arrive $0xFFFF  }
0x1ce: {  	p0 =	sne.s32 s0, $0x0;
	s0 =	rddreg [dreg:$0x3]  }
0x1cf: {  	s0 =	sadd.s32 @!p0 $0x100000, s0  }
0x1d0: {  	[sflag:s0] =	ssyncadd.tile.s32 @!p0 $0x1;
	_ =	shalt  }
.Lfunc_end2:
_tile_overlayer_lowered:
.L_overlay_start_2:
0x1d1: {  	(tag) =	ssettag $0x2  }
0x1d2: {  	s0 =	rddreg [dreg:$0x0];
	s2 =	stileid.u32  }
0x1d3: {  	s1 =	rddreg [dreg:$0x1];
	p0 =	sne.s32 s2, $0x0  }
0x1d4: {  	s3 =	rddreg [dreg:$0x2];
	[bflag:$0x3] =	sbarrier.arrive $0xFFFF;
	s2 =	simm.s32 @!p0 $0x1C0D  }
0x1d5: {  	[timem:s3], [sflag:s2] =	dma.local @!p0 [hbm:s0], s1  }
0x1d6: {  	s0 =	simm.s32 @!p0 $0xD  }
0x1d7: {  	_ =	swait.ge @!p0 [sflag:s0], s1  }
0x1d8: {  	s1 =	ssub.s32 @!p0 $0x0, s1;
	[sflag:s0] =	ssyncset.done @!p0 $0x0  }
0x1d9: {  	[sflag:s0] =	ssyncadd.s32 @!p0 s1  }
0x1da: {  	[bflag:$0x3] =	sbarrier.arrive $0xFFFF  }
0x1db: {  	_ =	shalt  }

</sc_bundles>
